<compile_context>
chip_gen: v7x
topology: tpu7x:2x2x1
jax: 0.10.2.dev20260603
libtpu: 0.0.44.dev20260713+nightly
codegen_flags: <defaults>
</compile_context>

<pallas_src>
import functools

import jax
import jax.numpy as jnp
import numpy as np
from jax import lax
from jax.experimental import pallas as pl
from jax.experimental.pallas import tpu as pltpu
from jax.experimental.pallas import tpu_sc as plsc

_RADIUS2 = np.float32(0.2 * 0.2)
_NS = 32
_N = 4096
_M = 1024
_B = 8
_C = 64
_OUTW = 3 + _C
_NSUB = 32
_QPW = (_B * _M) // _NSUB
_GQ = 4
_GS = _GQ * _NS
_SUP = 8


def _body(qx_h, qy_h, qz_h, px_h, py_h, pz_h, tab_h, out_h,
          qxv, qyv, qzv, pxv, pyv, pzv, idxq, idxf, rows, obuf, sem):
    wid = lax.axis_index("c") * 16 + lax.axis_index("s")
    qbase = wid * _QPW
    b = wid // (_M // _QPW)
    pbase = b * _N

    pltpu.sync_copy(qx_h.at[pl.ds(qbase, _QPW)], qxv)
    pltpu.sync_copy(qy_h.at[pl.ds(qbase, _QPW)], qyv)
    pltpu.sync_copy(qz_h.at[pl.ds(qbase, _QPW)], qzv)
    pltpu.sync_copy(px_h.at[pl.ds(pbase, _N)], pxv)
    pltpu.sync_copy(py_h.at[pl.ds(pbase, _N)], pyv)
    pltpu.sync_copy(pz_h.at[pl.ds(pbase, _N)], pzv)

    iota = jnp.arange(16, dtype=jnp.int32)
    zero16 = jnp.zeros((16,), jnp.int32)
    one16 = jnp.ones((16,), jnp.int32)
    boffv = jnp.full((16,), pbase, jnp.int32)

    def per_query(j, _):
        jsp = jnp.full((16,), j, jnp.int32)
        qxb = plsc.load_gather(qxv, [jsp])
        qyb = plsc.load_gather(qyv, [jsp])
        qzb = plsc.load_gather(qzv, [jsp])

        def cond(carry):
            s, _cv, cnt_s = carry
            return jnp.logical_and(cnt_s < _NS, s < _N // (16 * _SUP))

        def step(carry):
            s, cnt_v, _cs = carry
            for u in range(_SUP):
                base = s * (16 * _SUP) + u * 16
                dx = pxv[pl.ds(base, 16)] - qxb
                dy = pyv[pl.ds(base, 16)] - qyb
                dz = pzv[pl.ds(base, 16)] - qzb
                d2 = dx * dx + dy * dy + dz * dz
                m = d2 < _RADIUS2
                mi = jnp.where(m, one16, zero16)
                dest = plsc.cumsum(mi) + (cnt_v - one16)
                plsc.store_scatter(idxq, [dest], iota + base, mask=m)
                cnt_v = cnt_v + plsc.all_reduce_population_count(m)
            return s + 1, cnt_v, jnp.max(cnt_v)

        _s_fin, _cv_fin, cnt = lax.while_loop(
            cond, step, (jnp.int32(0), zero16, jnp.int32(0)))

        cntv = jnp.full((16,), cnt, jnp.int32)
        f16 = idxq[pl.ds(0, 16)]
        first = plsc.cummax(jnp.where(iota == 0, f16, -one16))
        first = jnp.where(cntv > 0, first, jnp.full((16,), _N - 1, jnp.int32))
        for t in range(_NS // 16):
            slots = iota + (16 * t)
            cur = idxq[pl.ds(16 * t, 16)]
            val = jnp.where(slots < cntv, cur, first) + boffv
            idxf[pl.ds(j * _NS + 16 * t, 16)] = val
        return _

    lax.fori_loop(0, _QPW, per_query, 0)

    def per_group(g, _):
        pltpu.async_copy(tab_h.at[idxf.at[pl.ds(g * _GS, _GS)]], rows,
                         sem).wait()

        @plsc.parallel_loop(0, _GS, unroll=4)
        def per_row(r):
            base = r * _OUTW + 3
            for cc in range(_C // 16):
                v = rows[r, pl.ds(16 * cc, 16)]
                plsc.store_scatter(obuf, [iota + (base + 16 * cc)], v)

        for t in range(_GS // 16):
            jq = g * _GQ + t // 2
            jsp = jnp.full((16,), jq, jnp.int32)
            lidx = idxf[pl.ds(g * _GS + t * 16, 16)] - boffv
            lx = plsc.load_gather(pxv, [lidx]) - plsc.load_gather(qxv, [jsp])
            ly = plsc.load_gather(pyv, [lidx]) - plsc.load_gather(qyv, [jsp])
            lz = plsc.load_gather(pzv, [lidx]) - plsc.load_gather(qzv, [jsp])
            rdest = (iota + t * 16) * _OUTW
            plsc.store_scatter(obuf, [rdest], lx)
            plsc.store_scatter(obuf, [rdest + 1], ly)
            plsc.store_scatter(obuf, [rdest + 2], lz)

        q0 = qbase + g * _GQ
        pltpu.sync_copy(obuf, out_h.at[pl.ds(q0 * _NS * _OUTW, _GS * _OUTW)])
        return _

    lax.fori_loop(0, _QPW // _GQ, per_group, 0)


@jax.jit
def _run(qx, qy, qz, px, py, pz, table):
    mesh = plsc.VectorSubcoreMesh(core_axis_name="c", subcore_axis_name="s")
    f = functools.partial(
        pl.kernel,
        out_type=jax.ShapeDtypeStruct((_B * _M * _NS * _OUTW,), jnp.float32),
        mesh=mesh,
        compiler_params=pltpu.CompilerParams(needs_layout_passes=False,
                                             use_tc_tiling_on_sc=False),
        scratch_types=[
            pltpu.VMEM((_QPW,), jnp.float32),
            pltpu.VMEM((_QPW,), jnp.float32),
            pltpu.VMEM((_QPW,), jnp.float32),
            pltpu.VMEM((_N,), jnp.float32),
            pltpu.VMEM((_N,), jnp.float32),
            pltpu.VMEM((_N,), jnp.float32),
            pltpu.VMEM((_NS + 16 * _SUP,), jnp.int32),
            pltpu.VMEM((_QPW * _NS,), jnp.int32),
            pltpu.VMEM((_GS, _C), jnp.float32),
            pltpu.VMEM((_GS * _OUTW,), jnp.float32),
            pltpu.SemaphoreType.DMA,
        ],
    )(_body)
    return f(qx, qy, qz, px, py, pz, table)


def kernel(new_xyz, pointset, feature):
    qx = new_xyz[..., 0].reshape(-1)
    qy = new_xyz[..., 1].reshape(-1)
    qz = new_xyz[..., 2].reshape(-1)
    px = pointset[..., 0].reshape(-1)
    py = pointset[..., 1].reshape(-1)
    pz = pointset[..., 2].reshape(-1)
    table = feature.reshape(-1, _C)
    out = _run(qx, qy, qz, px, py, pz, table)
    return out.reshape(_B, _M, _NS, _OUTW)

# --- scband reference (transcript-rebuilt; emitter-appended) ---
"""Pipeline reference for scband-ball-query-grouper-9242769621829 (READ-ONLY COPY).

The authoritative reference and input builder live on the scoring server;
editing this copy changes nothing except your own understanding.
"""

import jax, jax.numpy as jnp
import numpy as np

RADIUS = 0.2
NSAMPLES = 32
USE_XYZ = True


def setup_inputs(seed: int = 0) -> dict:
    key = jax.random.key(seed)
    k1, k2, k3 = jax.random.split(key, 3)
    new_xyz = jax.random.uniform(k1, (8, 1024, 3), dtype=jnp.float32)
    pointset = jax.random.uniform(k2, (8, 4096, 3), dtype=jnp.float32)
    feature = jax.random.normal(k3, (8, 4096, 64), dtype=jnp.float32)
    return {"new_xyz": new_xyz, "pointset": pointset, "feature": feature}


def _ball_query_idx(new_xyz, pointset, radius, nsample):
    # d2[b, j, k] = squared distance between query j and point k
    diff = new_xyz[:, :, None, :] - pointset[:, None, :, :]
    d2 = jnp.sum(diff * diff, axis=-1)
    mask = d2 < (radius * radius)
    N = pointset.shape[1]
    # Candidate indices: point index k where within radius, else sentinel N.
    cand = jnp.where(mask, jnp.arange(N, dtype=jnp.int32)[None, None, :],
                     jnp.int32(N))
    # The CUDA kernel takes the first `nsample` in-radius points in scan order
    # k = 0..N-1; sorting the candidates ascending reproduces that order.
    sorted_idx = jnp.sort(cand, axis=-1)[..., :nsample]
    # Padding semantics: slots beyond cnt are filled with the FIRST found index.
    first = sorted_idx[..., :1]
    idx = jnp.where(sorted_idx < N, sorted_idx, first)
    # Guard the (measure-zero) case of zero neighbors.
    idx = jnp.clip(idx, 0, N - 1)
    return idx


def reference(new_xyz, pointset, feature):
    idx = _ball_query_idx(new_xyz, pointset, RADIUS, NSAMPLES)  # [B, M, S]
    # Gather grouped points and features: out[b, j, s] = src[b, idx[b, j, s]]
    new_pointset = jax.vmap(lambda pts, ind: pts[ind])(pointset, idx)  # [B,M,S,3]
    new_feature = jax.vmap(lambda f, ind: f[ind])(feature, idx)        # [B,M,S,C]
    if USE_XYZ:
        local_xyz = new_pointset - new_xyz[:, :, None, :]
        new_feature = jnp.concatenate([local_xyz, new_feature], axis=-1)
    return new_feature

if __name__ == "__main__":
    import jax
    _d = setup_inputs()
    print(jax.jit(kernel)(*tuple(_d.values())))

</pallas_src>

<mosaic_0001>
#map = affine_map<(d0, d1) -> (0)>
#map1 = affine_map<(d0, d1) -> (0, 0)>
module attributes {stable_mosaic.version = 14 : i64} {
  func.func @_body(%arg0: i32, %arg1: i32, %arg2: memref<8192xf32, #tpu.memory_space<hbm>>, %arg3: memref<8192xf32, #tpu.memory_space<hbm>>, %arg4: memref<8192xf32, #tpu.memory_space<hbm>>, %arg5: memref<32768xf32, #tpu.memory_space<hbm>>, %arg6: memref<32768xf32, #tpu.memory_space<hbm>>, %arg7: memref<32768xf32, #tpu.memory_space<hbm>>, %arg8: memref<32768x64xf32, #tpu.memory_space<hbm>>, %arg9: memref<17563648xf32, #tpu.memory_space<hbm>>, %arg10: memref<256xf32, #tpu.memory_space<vmem>>, %arg11: memref<256xf32, #tpu.memory_space<vmem>>, %arg12: memref<256xf32, #tpu.memory_space<vmem>>, %arg13: memref<4096xf32, #tpu.memory_space<vmem>>, %arg14: memref<4096xf32, #tpu.memory_space<vmem>>, %arg15: memref<4096xf32, #tpu.memory_space<vmem>>, %arg16: memref<160xi32, #tpu.memory_space<vmem>>, %arg17: memref<8192xi32, #tpu.memory_space<vmem>>, %arg18: memref<128x64xf32, #tpu.memory_space<vmem>>, %arg19: memref<8576xf32, #tpu.memory_space<vmem>>, %arg20: memref<!tpu.dma_semaphore, #tpu.memory_space<semaphore_mem>>) attributes {dimension_semantics = [#tpu.dimension_semantics<core_parallel>, #tpu.dimension_semantics<subcore_parallel>], iteration_bounds = array<i64: 2, 16>, scalar_prefetch = 0 : i64, scratch_operands = 11 : i64, tpu.core_type = #tpu.core_type<sc_vector_subcore>, window_params = [{transform_indices = #map}, {transform_indices = #map}, {transform_indices = #map}, {transform_indices = #map}, {transform_indices = #map}, {transform_indices = #map}, {transform_indices = #map1}, {transform_indices = #map}]} {
    %mul3A = arith.constant 16 : i32
    %mul3A_0 = arith.muli %arg0, %mul3A : i32
    %add3A = arith.addi %mul3A_0, %arg1 : i32
    %mul3A_1 = arith.constant 256 : i32
    %mul3A_2 = arith.muli %add3A, %mul3A_1 : i32
    %jit3A = arith.constant 4 : i32
    %div3A = arith.divsi %add3A, %jit3A : i32
    %sign3A = arith.constant 0 : i32
    %sign3A_3 = arith.cmpi sgt, %add3A, %sign3A : i32
    %sign3A_4 = arith.extui %sign3A_3 : i1 to i32
    %sign3A_5 = arith.constant 0 : i32
    %sign3A_6 = arith.cmpi slt, %add3A, %sign3A_5 : i32
    %sign3A_7 = arith.extui %sign3A_6 : i1 to i32
    %sign3A_8 = arith.subi %sign3A_4, %sign3A_7 : i32
    %sign3A_9 = arith.constant 0 : i32
    %sign3A_10 = arith.cmpi sgt, %jit3A, %sign3A_9 : i32
    %sign3A_11 = arith.extui %sign3A_10 : i1 to i32
    %sign3A_12 = arith.constant 0 : i32
    %sign3A_13 = arith.cmpi slt, %jit3A, %sign3A_12 : i32
    %sign3A_14 = arith.extui %sign3A_13 : i1 to i32
    %sign3A_15 = arith.subi %sign3A_11, %sign3A_14 : i32
    %ne3A = arith.cmpi ne, %sign3A_8, %sign3A_15 : i32
    %rem3A = arith.remsi %add3A, %jit3A : i32
    %ne3A_16 = arith.constant 0 : i32
    %ne3A_17 = arith.cmpi ne, %rem3A, %ne3A_16 : i32
    %and3A = arith.andi %ne3A, %ne3A_17 : i1
    %sub3A = arith.constant 1 : i32
    %sub3A_18 = arith.subi %div3A, %sub3A : i32
    %select_n3A = arith.select %and3A, %sub3A_18, %div3A : i32
    %mul3A_19 = arith.constant 4096 : i32
    %mul3A_20 = arith.muli %select_n3A, %mul3A_19 : i32
    "tpu.region"() ({
      %run_scoped3A = tpu.sem_alloc : memref<!tpu.dma_semaphore, #tpu.memory_space<semaphore_mem>>
      %dma_start3A = tpu.memref_slice %arg2[%mul3A_2] : memref<8192xf32, #tpu.memory_space<hbm>> -> memref<256xf32, #tpu.memory_space<hbm>>
      %dma_start3A_36 = tpu.memref_slice %arg2[%mul3A_2] : memref<8192xf32, #tpu.memory_space<hbm>> -> memref<256xf32, #tpu.memory_space<hbm>>
      tpu.enqueue_dma source(%dma_start3A_36 : memref<256xf32, #tpu.memory_space<hbm>>) target(%arg10 : memref<256xf32, #tpu.memory_space<vmem>>) target_semaphore(%run_scoped3A : memref<!tpu.dma_semaphore, #tpu.memory_space<semaphore_mem>>)
      %dma_wait3A = tpu.memref_slice %arg2[%mul3A_2] : memref<8192xf32, #tpu.memory_space<hbm>> -> memref<256xf32, #tpu.memory_space<hbm>>
      %dma_wait3A_37 = tpu.memref_slice %arg2[%mul3A_2] : memref<8192xf32, #tpu.memory_space<hbm>> -> memref<256xf32, #tpu.memory_space<hbm>>
      tpu.wait_dma2 semaphore(%run_scoped3A : memref<!tpu.dma_semaphore, #tpu.memory_space<semaphore_mem>>) src(%dma_wait3A_37 : memref<256xf32, #tpu.memory_space<hbm>>) dst(%arg10 : memref<256xf32, #tpu.memory_space<vmem>>)
      tpu.yield
    }) : () -> ()
    "tpu.region"() ({
      %run_scoped3A = tpu.sem_alloc : memref<!tpu.dma_semaphore, #tpu.memory_space<semaphore_mem>>
      %dma_start3A = tpu.memref_slice %arg3[%mul3A_2] : memref<8192xf32, #tpu.memory_space<hbm>> -> memref<256xf32, #tpu.memory_space<hbm>>
      %dma_start3A_36 = tpu.memref_slice %arg3[%mul3A_2] : memref<8192xf32, #tpu.memory_space<hbm>> -> memref<256xf32, #tpu.memory_space<hbm>>
      tpu.enqueue_dma source(%dma_start3A_36 : memref<256xf32, #tpu.memory_space<hbm>>) target(%arg11 : memref<256xf32, #tpu.memory_space<vmem>>) target_semaphore(%run_scoped3A : memref<!tpu.dma_semaphore, #tpu.memory_space<semaphore_mem>>)
      %dma_wait3A = tpu.memref_slice %arg3[%mul3A_2] : memref<8192xf32, #tpu.memory_space<hbm>> -> memref<256xf32, #tpu.memory_space<hbm>>
      %dma_wait3A_37 = tpu.memref_slice %arg3[%mul3A_2] : memref<8192xf32, #tpu.memory_space<hbm>> -> memref<256xf32, #tpu.memory_space<hbm>>
      tpu.wait_dma2 semaphore(%run_scoped3A : memref<!tpu.dma_semaphore, #tpu.memory_space<semaphore_mem>>) src(%dma_wait3A_37 : memref<256xf32, #tpu.memory_space<hbm>>) dst(%arg11 : memref<256xf32, #tpu.memory_space<vmem>>)
      tpu.yield
    }) : () -> ()
    "tpu.region"() ({
      %run_scoped3A = tpu.sem_alloc : memref<!tpu.dma_semaphore, #tpu.memory_space<semaphore_mem>>
      %dma_start3A = tpu.memref_slice %arg4[%mul3A_2] : memref<8192xf32, #tpu.memory_space<hbm>> -> memref<256xf32, #tpu.memory_space<hbm>>
      %dma_start3A_36 = tpu.memref_slice %arg4[%mul3A_2] : memref<8192xf32, #tpu.memory_space<hbm>> -> memref<256xf32, #tpu.memory_space<hbm>>
      tpu.enqueue_dma source(%dma_start3A_36 : memref<256xf32, #tpu.memory_space<hbm>>) target(%arg12 : memref<256xf32, #tpu.memory_space<vmem>>) target_semaphore(%run_scoped3A : memref<!tpu.dma_semaphore, #tpu.memory_space<semaphore_mem>>)
      %dma_wait3A = tpu.memref_slice %arg4[%mul3A_2] : memref<8192xf32, #tpu.memory_space<hbm>> -> memref<256xf32, #tpu.memory_space<hbm>>
      %dma_wait3A_37 = tpu.memref_slice %arg4[%mul3A_2] : memref<8192xf32, #tpu.memory_space<hbm>> -> memref<256xf32, #tpu.memory_space<hbm>>
      tpu.wait_dma2 semaphore(%run_scoped3A : memref<!tpu.dma_semaphore, #tpu.memory_space<semaphore_mem>>) src(%dma_wait3A_37 : memref<256xf32, #tpu.memory_space<hbm>>) dst(%arg12 : memref<256xf32, #tpu.memory_space<vmem>>)
      tpu.yield
    }) : () -> ()
    "tpu.region"() ({
      %run_scoped3A = tpu.sem_alloc : memref<!tpu.dma_semaphore, #tpu.memory_space<semaphore_mem>>
      %dma_start3A = tpu.memref_slice %arg5[%mul3A_20] : memref<32768xf32, #tpu.memory_space<hbm>> -> memref<4096xf32, #tpu.memory_space<hbm>>
      %dma_start3A_36 = tpu.memref_slice %arg5[%mul3A_20] : memref<32768xf32, #tpu.memory_space<hbm>> -> memref<4096xf32, #tpu.memory_space<hbm>>
      tpu.enqueue_dma source(%dma_start3A_36 : memref<4096xf32, #tpu.memory_space<hbm>>) target(%arg13 : memref<4096xf32, #tpu.memory_space<vmem>>) target_semaphore(%run_scoped3A : memref<!tpu.dma_semaphore, #tpu.memory_space<semaphore_mem>>)
      %dma_wait3A = tpu.memref_slice %arg5[%mul3A_20] : memref<32768xf32, #tpu.memory_space<hbm>> -> memref<4096xf32, #tpu.memory_space<hbm>>
      %dma_wait3A_37 = tpu.memref_slice %arg5[%mul3A_20] : memref<32768xf32, #tpu.memory_space<hbm>> -> memref<4096xf32, #tpu.memory_space<hbm>>
      tpu.wait_dma2 semaphore(%run_scoped3A : memref<!tpu.dma_semaphore, #tpu.memory_space<semaphore_mem>>) src(%dma_wait3A_37 : memref<4096xf32, #tpu.memory_space<hbm>>) dst(%arg13 : memref<4096xf32, #tpu.memory_space<vmem>>)
      tpu.yield
    }) : () -> ()
    "tpu.region"() ({
      %run_scoped3A = tpu.sem_alloc : memref<!tpu.dma_semaphore, #tpu.memory_space<semaphore_mem>>
      %dma_start3A = tpu.memref_slice %arg6[%mul3A_20] : memref<32768xf32, #tpu.memory_space<hbm>> -> memref<4096xf32, #tpu.memory_space<hbm>>
      %dma_start3A_36 = tpu.memref_slice %arg6[%mul3A_20] : memref<32768xf32, #tpu.memory_space<hbm>> -> memref<4096xf32, #tpu.memory_space<hbm>>
      tpu.enqueue_dma source(%dma_start3A_36 : memref<4096xf32, #tpu.memory_space<hbm>>) target(%arg14 : memref<4096xf32, #tpu.memory_space<vmem>>) target_semaphore(%run_scoped3A : memref<!tpu.dma_semaphore, #tpu.memory_space<semaphore_mem>>)
      %dma_wait3A = tpu.memref_slice %arg6[%mul3A_20] : memref<32768xf32, #tpu.memory_space<hbm>> -> memref<4096xf32, #tpu.memory_space<hbm>>
      %dma_wait3A_37 = tpu.memref_slice %arg6[%mul3A_20] : memref<32768xf32, #tpu.memory_space<hbm>> -> memref<4096xf32, #tpu.memory_space<hbm>>
      tpu.wait_dma2 semaphore(%run_scoped3A : memref<!tpu.dma_semaphore, #tpu.memory_space<semaphore_mem>>) src(%dma_wait3A_37 : memref<4096xf32, #tpu.memory_space<hbm>>) dst(%arg14 : memref<4096xf32, #tpu.memory_space<vmem>>)
      tpu.yield
    }) : () -> ()
    "tpu.region"() ({
      %run_scoped3A = tpu.sem_alloc : memref<!tpu.dma_semaphore, #tpu.memory_space<semaphore_mem>>
      %dma_start3A = tpu.memref_slice %arg7[%mul3A_20] : memref<32768xf32, #tpu.memory_space<hbm>> -> memref<4096xf32, #tpu.memory_space<hbm>>
      %dma_start3A_36 = tpu.memref_slice %arg7[%mul3A_20] : memref<32768xf32, #tpu.memory_space<hbm>> -> memref<4096xf32, #tpu.memory_space<hbm>>
      tpu.enqueue_dma source(%dma_start3A_36 : memref<4096xf32, #tpu.memory_space<hbm>>) target(%arg15 : memref<4096xf32, #tpu.memory_space<vmem>>) target_semaphore(%run_scoped3A : memref<!tpu.dma_semaphore, #tpu.memory_space<semaphore_mem>>)
      %dma_wait3A = tpu.memref_slice %arg7[%mul3A_20] : memref<32768xf32, #tpu.memory_space<hbm>> -> memref<4096xf32, #tpu.memory_space<hbm>>
      %dma_wait3A_37 = tpu.memref_slice %arg7[%mul3A_20] : memref<32768xf32, #tpu.memory_space<hbm>> -> memref<4096xf32, #tpu.memory_space<hbm>>
      tpu.wait_dma2 semaphore(%run_scoped3A : memref<!tpu.dma_semaphore, #tpu.memory_space<semaphore_mem>>) src(%dma_wait3A_37 : memref<4096xf32, #tpu.memory_space<hbm>>) dst(%arg15 : memref<4096xf32, #tpu.memory_space<vmem>>)
      tpu.yield
    }) : () -> ()
    %iota3A = tpu.iota {dimensions = array<i32: 0>} : vector<16xi32>
    %broadcast_in_dim3A = arith.constant 0 : i32
    %broadcast_in_dim3A_21 = vector.broadcast %broadcast_in_dim3A : i32 to vector<16xi32>
    %broadcast_in_dim3A_22 = arith.constant 1 : i32
    %broadcast_in_dim3A_23 = vector.broadcast %broadcast_in_dim3A_22 : i32 to vector<16xi32>
    %broadcast_in_dim3A_24 = vector.broadcast %mul3A_20 : i32 to vector<16xi32>
    %scan3A = arith.constant 0 : i32
    %scan3A_25 = arith.constant 0 : i32
    %scan3A_26 = arith.constant 256 : i32
    %scan3A_27 = arith.addi %scan3A_25, %scan3A_26 : i32
    %scan3A_28 = arith.constant 1 : i32
    scf.for %scan3A_36 = %scan3A_25 to %scan3A_27 step %scan3A_28  : i32 {
      %broadcast_in_dim3A_37 = vector.broadcast %scan3A_36 : i32 to vector<16xi32>
      %gather3A = tpu.vector_load_idx %arg10[%broadcast_in_dim3A_37] : memref<256xf32, #tpu.memory_space<vmem>>[vector<16xi32>], vector<16xf32>,
      %gather3A_38 = tpu.vector_load_idx %arg11[%broadcast_in_dim3A_37] : memref<256xf32, #tpu.memory_space<vmem>>[vector<16xi32>], vector<16xf32>,
      %gather3A_39 = tpu.vector_load_idx %arg12[%broadcast_in_dim3A_37] : memref<256xf32, #tpu.memory_space<vmem>>[vector<16xi32>], vector<16xf32>,
      %while3A = arith.constant 0 : i32
      %while3A_40 = arith.constant 0 : i32
      %while3A_41:3 = scf.while (%while3A_86 = %while3A, %while3A_87 = %broadcast_in_dim3A_21, %while3A_88 = %while3A_40) : (i32, vector<16xi32>, i32) -> (i32, vector<16xi32>, i32) {
        %lt3A_89 = arith.constant 32 : i32
        %lt3A_90 = arith.cmpi slt, %while3A_88, %lt3A_89 : i32
        %lt3A_91 = arith.constant 32 : i32
        %lt3A_92 = arith.cmpi slt, %while3A_86, %lt3A_91 : i32
        %and3A_93 = arith.andi %lt3A_90, %lt3A_92 : i1
        scf.condition(%and3A_93) %while3A_86, %while3A_87, %while3A_88 : i32, vector<16xi32>, i32
      } do {
      ^bb0(%while3A_86: i32, %while3A_87: vector<16xi32>, %while3A_88: i32):
        %mul3A_89 = arith.constant 128 : i32
        %mul3A_90 = arith.muli %while3A_86, %mul3A_89 : i32
        %add3A_91 = arith.constant 0 : i32
        %add3A_92 = arith.addi %mul3A_90, %add3A_91 : i32
        %get3A_93 = arith.index_cast %add3A_92 : i32 to index
        %get3A_94 = tpu.vector_load %arg13[%get3A_93] {strides = array<i32>} : memref<4096xf32, #tpu.memory_space<vmem>>, vector<16xf32>,
        %sub3A_95 = arith.subf %get3A_94, %gather3A : vector<16xf32>
        %get3A_96 = arith.index_cast %add3A_92 : i32 to index
        %get3A_97 = tpu.vector_load %arg14[%get3A_96] {strides = array<i32>} : memref<4096xf32, #tpu.memory_space<vmem>>, vector<16xf32>,
        %sub3A_98 = arith.subf %get3A_97, %gather3A_38 : vector<16xf32>
        %get3A_99 = arith.index_cast %add3A_92 : i32 to index
        %get3A_100 = tpu.vector_load %arg15[%get3A_99] {strides = array<i32>} : memref<4096xf32, #tpu.memory_space<vmem>>, vector<16xf32>,
        %sub3A_101 = arith.subf %get3A_100, %gather3A_39 : vector<16xf32>
        %mul3A_102 = arith.mulf %sub3A_95, %sub3A_95 : vector<16xf32>
        %mul3A_103 = arith.mulf %sub3A_98, %sub3A_98 : vector<16xf32>
        %add3A_104 = arith.addf %mul3A_102, %mul3A_103 : vector<16xf32>
        %mul3A_105 = arith.mulf %sub3A_101, %sub3A_101 : vector<16xf32>
        %add3A_106 = arith.addf %add3A_104, %mul3A_105 : vector<16xf32>
        %lt3A_107 = arith.constant 4.000000e-02 : f32
        %lt3A_108 = vector.broadcast %lt3A_107 : f32 to vector<16xf32>
        %lt3A_109 = arith.cmpf olt, %add3A_106, %lt3A_108 : vector<16xf32>
        %select_n3A_110 = arith.select %lt3A_109, %broadcast_in_dim3A_23, %broadcast_in_dim3A_21 : vector<16xi1>, vector<16xi32>
        %broadcast_in_dim3A_111 = arith.constant true
        %broadcast_in_dim3A_112 = vector.broadcast %broadcast_in_dim3A_111 : i1 to vector<16xi1>
        %masked_cumsum3A = tpu.scan <sum>, %select_n3A_110 masked %broadcast_in_dim3A_112 : vector<16xi32>, vector<16xi1> -> vector<16xi32>
        %sub3A_113 = arith.subi %while3A_87, %broadcast_in_dim3A_23 : vector<16xi32>
        %add3A_114 = arith.addi %masked_cumsum3A, %sub3A_113 : vector<16xi32>
        %add3A_115 = vector.broadcast %add3A_92 : i32 to vector<16xi32>
        %add3A_116 = arith.addi %iota3A, %add3A_115 : vector<16xi32>
        tpu.vector_store_idx %arg16[%add3A_114], %add3A_116 masked %lt3A_109 : memref<160xi32, #tpu.memory_space<vmem>>[vector<16xi32>], vector<16xi32>, vector<16xi1>
        %all_reduce_population_count3A = tpu.all_reduce %lt3A_109 {dim = 0 : i64, kind = #tpu.reduction_kind<sum>} : vector<16xi1> -> vector<16xi32>
        %add3A_117 = arith.addi %while3A_87, %all_reduce_population_count3A : vector<16xi32>
        %mul3A_118 = arith.constant 128 : i32
        %mul3A_119 = arith.muli %while3A_86, %mul3A_118 : i32
        %add3A_120 = arith.constant 16 : i32
        %add3A_121 = arith.addi %mul3A_119, %add3A_120 : i32
        %get3A_122 = arith.index_cast %add3A_121 : i32 to index
        %get3A_123 = tpu.vector_load %arg13[%get3A_122] {strides = array<i32>} : memref<4096xf32, #tpu.memory_space<vmem>>, vector<16xf32>,
        %sub3A_124 = arith.subf %get3A_123, %gather3A : vector<16xf32>
        %get3A_125 = arith.index_cast %add3A_121 : i32 to index
        %get3A_126 = tpu.vector_load %arg14[%get3A_125] {strides = array<i32>} : memref<4096xf32, #tpu.memory_space<vmem>>, vector<16xf32>,
        %sub3A_127 = arith.subf %get3A_126, %gather3A_38 : vector<16xf32>
        %get3A_128 = arith.index_cast %add3A_121 : i32 to index
        %get3A_129 = tpu.vector_load %arg15[%get3A_128] {strides = array<i32>} : memref<4096xf32, #tpu.memory_space<vmem>>, vector<16xf32>,
        %sub3A_130 = arith.subf %get3A_129, %gather3A_39 : vector<16xf32>
        %mul3A_131 = arith.mulf %sub3A_124, %sub3A_124 : vector<16xf32>
        %mul3A_132 = arith.mulf %sub3A_127, %sub3A_127 : vector<16xf32>
        %add3A_133 = arith.addf %mul3A_131, %mul3A_132 : vector<16xf32>
        %mul3A_134 = arith.mulf %sub3A_130, %sub3A_130 : vector<16xf32>
        %add3A_135 = arith.addf %add3A_133, %mul3A_134 : vector<16xf32>
        %lt3A_136 = arith.constant 4.000000e-02 : f32
        %lt3A_137 = vector.broadcast %lt3A_136 : f32 to vector<16xf32>
        %lt3A_138 = arith.cmpf olt, %add3A_135, %lt3A_137 : vector<16xf32>
        %select_n3A_139 = arith.select %lt3A_138, %broadcast_in_dim3A_23, %broadcast_in_dim3A_21 : vector<16xi1>, vector<16xi32>
        %broadcast_in_dim3A_140 = arith.constant true
        %broadcast_in_dim3A_141 = vector.broadcast %broadcast_in_dim3A_140 : i1 to vector<16xi1>
        %masked_cumsum3A_142 = tpu.scan <sum>, %select_n3A_139 masked %broadcast_in_dim3A_141 : vector<16xi32>, vector<16xi1> -> vector<16xi32>
        %sub3A_143 = arith.subi %add3A_117, %broadcast_in_dim3A_23 : vector<16xi32>
        %add3A_144 = arith.addi %masked_cumsum3A_142, %sub3A_143 : vector<16xi32>
        %add3A_145 = vector.broadcast %add3A_121 : i32 to vector<16xi32>
        %add3A_146 = arith.addi %iota3A, %add3A_145 : vector<16xi32>
        tpu.vector_store_idx %arg16[%add3A_144], %add3A_146 masked %lt3A_138 : memref<160xi32, #tpu.memory_space<vmem>>[vector<16xi32>], vector<16xi32>, vector<16xi1>
        %all_reduce_population_count3A_147 = tpu.all_reduce %lt3A_138 {dim = 0 : i64, kind = #tpu.reduction_kind<sum>} : vector<16xi1> -> vector<16xi32>
        %add3A_148 = arith.addi %add3A_117, %all_reduce_population_count3A_147 : vector<16xi32>
        %mul3A_149 = arith.constant 128 : i32
        %mul3A_150 = arith.muli %while3A_86, %mul3A_149 : i32
        %add3A_151 = arith.constant 32 : i32
        %add3A_152 = arith.addi %mul3A_150, %add3A_151 : i32
        %get3A_153 = arith.index_cast %add3A_152 : i32 to index
        %get3A_154 = tpu.vector_load %arg13[%get3A_153] {strides = array<i32>} : memref<4096xf32, #tpu.memory_space<vmem>>, vector<16xf32>,
        %sub3A_155 = arith.subf %get3A_154, %gather3A : vector<16xf32>
        %get3A_156 = arith.index_cast %add3A_152 : i32 to index
        %get3A_157 = tpu.vector_load %arg14[%get3A_156] {strides = array<i32>} : memref<4096xf32, #tpu.memory_space<vmem>>, vector<16xf32>,
        %sub3A_158 = arith.subf %get3A_157, %gather3A_38 : vector<16xf32>
        %get3A_159 = arith.index_cast %add3A_152 : i32 to index
        %get3A_160 = tpu.vector_load %arg15[%get3A_159] {strides = array<i32>} : memref<4096xf32, #tpu.memory_space<vmem>>, vector<16xf32>,
        %sub3A_161 = arith.subf %get3A_160, %gather3A_39 : vector<16xf32>
        %mul3A_162 = arith.mulf %sub3A_155, %sub3A_155 : vector<16xf32>
        %mul3A_163 = arith.mulf %sub3A_158, %sub3A_158 : vector<16xf32>
        %add3A_164 = arith.addf %mul3A_162, %mul3A_163 : vector<16xf32>
        %mul3A_165 = arith.mulf %sub3A_161, %sub3A_161 : vector<16xf32>
        %add3A_166 = arith.addf %add3A_164, %mul3A_165 : vector<16xf32>
        %lt3A_167 = arith.constant 4.000000e-02 : f32
        %lt3A_168 = vector.broadcast %lt3A_167 : f32 to vector<16xf32>
        %lt3A_169 = arith.cmpf olt, %add3A_166, %lt3A_168 : vector<16xf32>
        %select_n3A_170 = arith.select %lt3A_169, %broadcast_in_dim3A_23, %broadcast_in_dim3A_21 : vector<16xi1>, vector<16xi32>
        %broadcast_in_dim3A_171 = arith.constant true
        %broadcast_in_dim3A_172 = vector.broadcast %broadcast_in_dim3A_171 : i1 to vector<16xi1>
        %masked_cumsum3A_173 = tpu.scan <sum>, %select_n3A_170 masked %broadcast_in_dim3A_172 : vector<16xi32>, vector<16xi1> -> vector<16xi32>
        %sub3A_174 = arith.subi %add3A_148, %broadcast_in_dim3A_23 : vector<16xi32>
        %add3A_175 = arith.addi %masked_cumsum3A_173, %sub3A_174 : vector<16xi32>
        %add3A_176 = vector.broadcast %add3A_152 : i32 to vector<16xi32>
        %add3A_177 = arith.addi %iota3A, %add3A_176 : vector<16xi32>
        tpu.vector_store_idx %arg16[%add3A_175], %add3A_177 masked %lt3A_169 : memref<160xi32, #tpu.memory_space<vmem>>[vector<16xi32>], vector<16xi32>, vector<16xi1>
        %all_reduce_population_count3A_178 = tpu.all_reduce %lt3A_169 {dim = 0 : i64, kind = #tpu.reduction_kind<sum>} : vector<16xi1> -> vector<16xi32>
        %add3A_179 = arith.addi %add3A_148, %all_reduce_population_count3A_178 : vector<16xi32>
        %mul3A_180 = arith.constant 128 : i32
        %mul3A_181 = arith.muli %while3A_86, %mul3A_180 : i32
        %add3A_182 = arith.constant 48 : i32
        %add3A_183 = arith.addi %mul3A_181, %add3A_182 : i32
        %get3A_184 = arith.index_cast %add3A_183 : i32 to index
        %get3A_185 = tpu.vector_load %arg13[%get3A_184] {strides = array<i32>} : memref<4096xf32, #tpu.memory_space<vmem>>, vector<16xf32>,
        %sub3A_186 = arith.subf %get3A_185, %gather3A : vector<16xf32>
        %get3A_187 = arith.index_cast %add3A_183 : i32 to index
        %get3A_188 = tpu.vector_load %arg14[%get3A_187] {strides = array<i32>} : memref<4096xf32, #tpu.memory_space<vmem>>, vector<16xf32>,
        %sub3A_189 = arith.subf %get3A_188, %gather3A_38 : vector<16xf32>
        %get3A_190 = arith.index_cast %add3A_183 : i32 to index
        %get3A_191 = tpu.vector_load %arg15[%get3A_190] {strides = array<i32>} : memref<4096xf32, #tpu.memory_space<vmem>>, vector<16xf32>,
        %sub3A_192 = arith.subf %get3A_191, %gather3A_39 : vector<16xf32>
        %mul3A_193 = arith.mulf %sub3A_186, %sub3A_186 : vector<16xf32>
        %mul3A_194 = arith.mulf %sub3A_189, %sub3A_189 : vector<16xf32>
        %add3A_195 = arith.addf %mul3A_193, %mul3A_194 : vector<16xf32>
        %mul3A_196 = arith.mulf %sub3A_192, %sub3A_192 : vector<16xf32>
        %add3A_197 = arith.addf %add3A_195, %mul3A_196 : vector<16xf32>
        %lt3A_198 = arith.constant 4.000000e-02 : f32
        %lt3A_199 = vector.broadcast %lt3A_198 : f32 to vector<16xf32>
        %lt3A_200 = arith.cmpf olt, %add3A_197, %lt3A_199 : vector<16xf32>
        %select_n3A_201 = arith.select %lt3A_200, %broadcast_in_dim3A_23, %broadcast_in_dim3A_21 : vector<16xi1>, vector<16xi32>
        %broadcast_in_dim3A_202 = arith.constant true
        %broadcast_in_dim3A_203 = vector.broadcast %broadcast_in_dim3A_202 : i1 to vector<16xi1>
        %masked_cumsum3A_204 = tpu.scan <sum>, %select_n3A_201 masked %broadcast_in_dim3A_203 : vector<16xi32>, vector<16xi1> -> vector<16xi32>
        %sub3A_205 = arith.subi %add3A_179, %broadcast_in_dim3A_23 : vector<16xi32>
        %add3A_206 = arith.addi %masked_cumsum3A_204, %sub3A_205 : vector<16xi32>
        %add3A_207 = vector.broadcast %add3A_183 : i32 to vector<16xi32>
        %add3A_208 = arith.addi %iota3A, %add3A_207 : vector<16xi32>
        tpu.vector_store_idx %arg16[%add3A_206], %add3A_208 masked %lt3A_200 : memref<160xi32, #tpu.memory_space<vmem>>[vector<16xi32>], vector<16xi32>, vector<16xi1>
        %all_reduce_population_count3A_209 = tpu.all_reduce %lt3A_200 {dim = 0 : i64, kind = #tpu.reduction_kind<sum>} : vector<16xi1> -> vector<16xi32>
        %add3A_210 = arith.addi %add3A_179, %all_reduce_population_count3A_209 : vector<16xi32>
        %mul3A_211 = arith.constant 128 : i32
        %mul3A_212 = arith.muli %while3A_86, %mul3A_211 : i32
        %add3A_213 = arith.constant 64 : i32
        %add3A_214 = arith.addi %mul3A_212, %add3A_213 : i32
        %get3A_215 = arith.index_cast %add3A_214 : i32 to index
        %get3A_216 = tpu.vector_load %arg13[%get3A_215] {strides = array<i32>} : memref<4096xf32, #tpu.memory_space<vmem>>, vector<16xf32>,
        %sub3A_217 = arith.subf %get3A_216, %gather3A : vector<16xf32>
        %get3A_218 = arith.index_cast %add3A_214 : i32 to index
        %get3A_219 = tpu.vector_load %arg14[%get3A_218] {strides = array<i32>} : memref<4096xf32, #tpu.memory_space<vmem>>, vector<16xf32>,
        %sub3A_220 = arith.subf %get3A_219, %gather3A_38 : vector<16xf32>
        %get3A_221 = arith.index_cast %add3A_214 : i32 to index
        %get3A_222 = tpu.vector_load %arg15[%get3A_221] {strides = array<i32>} : memref<4096xf32, #tpu.memory_space<vmem>>, vector<16xf32>,
        %sub3A_223 = arith.subf %get3A_222, %gather3A_39 : vector<16xf32>
        %mul3A_224 = arith.mulf %sub3A_217, %sub3A_217 : vector<16xf32>
        %mul3A_225 = arith.mulf %sub3A_220, %sub3A_220 : vector<16xf32>
        %add3A_226 = arith.addf %mul3A_224, %mul3A_225 : vector<16xf32>
        %mul3A_227 = arith.mulf %sub3A_223, %sub3A_223 : vector<16xf32>
        %add3A_228 = arith.addf %add3A_226, %mul3A_227 : vector<16xf32>
        %lt3A_229 = arith.constant 4.000000e-02 : f32
        %lt3A_230 = vector.broadcast %lt3A_229 : f32 to vector<16xf32>
        %lt3A_231 = arith.cmpf olt, %add3A_228, %lt3A_230 : vector<16xf32>
        %select_n3A_232 = arith.select %lt3A_231, %broadcast_in_dim3A_23, %broadcast_in_dim3A_21 : vector<16xi1>, vector<16xi32>
        %broadcast_in_dim3A_233 = arith.constant true
        %broadcast_in_dim3A_234 = vector.broadcast %broadcast_in_dim3A_233 : i1 to vector<16xi1>
        %masked_cumsum3A_235 = tpu.scan <sum>, %select_n3A_232 masked %broadcast_in_dim3A_234 : vector<16xi32>, vector<16xi1> -> vector<16xi32>
        %sub3A_236 = arith.subi %add3A_210, %broadcast_in_dim3A_23 : vector<16xi32>
        %add3A_237 = arith.addi %masked_cumsum3A_235, %sub3A_236 : vector<16xi32>
        %add3A_238 = vector.broadcast %add3A_214 : i32 to vector<16xi32>
        %add3A_239 = arith.addi %iota3A, %add3A_238 : vector<16xi32>
        tpu.vector_store_idx %arg16[%add3A_237], %add3A_239 masked %lt3A_231 : memref<160xi32, #tpu.memory_space<vmem>>[vector<16xi32>], vector<16xi32>, vector<16xi1>
        %all_reduce_population_count3A_240 = tpu.all_reduce %lt3A_231 {dim = 0 : i64, kind = #tpu.reduction_kind<sum>} : vector<16xi1> -> vector<16xi32>
        %add3A_241 = arith.addi %add3A_210, %all_reduce_population_count3A_240 : vector<16xi32>
        %mul3A_242 = arith.constant 128 : i32
        %mul3A_243 = arith.muli %while3A_86, %mul3A_242 : i32
        %add3A_244 = arith.constant 80 : i32
        %add3A_245 = arith.addi %mul3A_243, %add3A_244 : i32
        %get3A_246 = arith.index_cast %add3A_245 : i32 to index
        %get3A_247 = tpu.vector_load %arg13[%get3A_246] {strides = array<i32>} : memref<4096xf32, #tpu.memory_space<vmem>>, vector<16xf32>,
        %sub3A_248 = arith.subf %get3A_247, %gather3A : vector<16xf32>
        %get3A_249 = arith.index_cast %add3A_245 : i32 to index
        %get3A_250 = tpu.vector_load %arg14[%get3A_249] {strides = array<i32>} : memref<4096xf32, #tpu.memory_space<vmem>>, vector<16xf32>,
        %sub3A_251 = arith.subf %get3A_250, %gather3A_38 : vector<16xf32>
        %get3A_252 = arith.index_cast %add3A_245 : i32 to index
        %get3A_253 = tpu.vector_load %arg15[%get3A_252] {strides = array<i32>} : memref<4096xf32, #tpu.memory_space<vmem>>, vector<16xf32>,
        %sub3A_254 = arith.subf %get3A_253, %gather3A_39 : vector<16xf32>
        %mul3A_255 = arith.mulf %sub3A_248, %sub3A_248 : vector<16xf32>
        %mul3A_256 = arith.mulf %sub3A_251, %sub3A_251 : vector<16xf32>
        %add3A_257 = arith.addf %mul3A_255, %mul3A_256 : vector<16xf32>
        %mul3A_258 = arith.mulf %sub3A_254, %sub3A_254 : vector<16xf32>
        %add3A_259 = arith.addf %add3A_257, %mul3A_258 : vector<16xf32>
        %lt3A_260 = arith.constant 4.000000e-02 : f32
        %lt3A_261 = vector.broadcast %lt3A_260 : f32 to vector<16xf32>
        %lt3A_262 = arith.cmpf olt, %add3A_259, %lt3A_261 : vector<16xf32>
        %select_n3A_263 = arith.select %lt3A_262, %broadcast_in_dim3A_23, %broadcast_in_dim3A_21 : vector<16xi1>, vector<16xi32>
        %broadcast_in_dim3A_264 = arith.constant true
        %broadcast_in_dim3A_265 = vector.broadcast %broadcast_in_dim3A_264 : i1 to vector<16xi1>
        %masked_cumsum3A_266 = tpu.scan <sum>, %select_n3A_263 masked %broadcast_in_dim3A_265 : vector<16xi32>, vector<16xi1> -> vector<16xi32>
        %sub3A_267 = arith.subi %add3A_241, %broadcast_in_dim3A_23 : vector<16xi32>
        %add3A_268 = arith.addi %masked_cumsum3A_266, %sub3A_267 : vector<16xi32>
        %add3A_269 = vector.broadcast %add3A_245 : i32 to vector<16xi32>
        %add3A_270 = arith.addi %iota3A, %add3A_269 : vector<16xi32>
        tpu.vector_store_idx %arg16[%add3A_268], %add3A_270 masked %lt3A_262 : memref<160xi32, #tpu.memory_space<vmem>>[vector<16xi32>], vector<16xi32>, vector<16xi1>
        %all_reduce_population_count3A_271 = tpu.all_reduce %lt3A_262 {dim = 0 : i64, kind = #tpu.reduction_kind<sum>} : vector<16xi1> -> vector<16xi32>
        %add3A_272 = arith.addi %add3A_241, %all_reduce_population_count3A_271 : vector<16xi32>
        %mul3A_273 = arith.constant 128 : i32
        %mul3A_274 = arith.muli %while3A_86, %mul3A_273 : i32
        %add3A_275 = arith.constant 96 : i32
        %add3A_276 = arith.addi %mul3A_274, %add3A_275 : i32
        %get3A_277 = arith.index_cast %add3A_276 : i32 to index
        %get3A_278 = tpu.vector_load %arg13[%get3A_277] {strides = array<i32>} : memref<4096xf32, #tpu.memory_space<vmem>>, vector<16xf32>,
        %sub3A_279 = arith.subf %get3A_278, %gather3A : vector<16xf32>
        %get3A_280 = arith.index_cast %add3A_276 : i32 to index
        %get3A_281 = tpu.vector_load %arg14[%get3A_280] {strides = array<i32>} : memref<4096xf32, #tpu.memory_space<vmem>>, vector<16xf32>,
        %sub3A_282 = arith.subf %get3A_281, %gather3A_38 : vector<16xf32>
        %get3A_283 = arith.index_cast %add3A_276 : i32 to index
        %get3A_284 = tpu.vector_load %arg15[%get3A_283] {strides = array<i32>} : memref<4096xf32, #tpu.memory_space<vmem>>, vector<16xf32>,
        %sub3A_285 = arith.subf %get3A_284, %gather3A_39 : vector<16xf32>
        %mul3A_286 = arith.mulf %sub3A_279, %sub3A_279 : vector<16xf32>
        %mul3A_287 = arith.mulf %sub3A_282, %sub3A_282 : vector<16xf32>
        %add3A_288 = arith.addf %mul3A_286, %mul3A_287 : vector<16xf32>
        %mul3A_289 = arith.mulf %sub3A_285, %sub3A_285 : vector<16xf32>
        %add3A_290 = arith.addf %add3A_288, %mul3A_289 : vector<16xf32>
        %lt3A_291 = arith.constant 4.000000e-02 : f32
        %lt3A_292 = vector.broadcast %lt3A_291 : f32 to vector<16xf32>
        %lt3A_293 = arith.cmpf olt, %add3A_290, %lt3A_292 : vector<16xf32>
        %select_n3A_294 = arith.select %lt3A_293, %broadcast_in_dim3A_23, %broadcast_in_dim3A_21 : vector<16xi1>, vector<16xi32>
        %broadcast_in_dim3A_295 = arith.constant true
        %broadcast_in_dim3A_296 = vector.broadcast %broadcast_in_dim3A_295 : i1 to vector<16xi1>
        %masked_cumsum3A_297 = tpu.scan <sum>, %select_n3A_294 masked %broadcast_in_dim3A_296 : vector<16xi32>, vector<16xi1> -> vector<16xi32>
        %sub3A_298 = arith.subi %add3A_272, %broadcast_in_dim3A_23 : vector<16xi32>
        %add3A_299 = arith.addi %masked_cumsum3A_297, %sub3A_298 : vector<16xi32>
        %add3A_300 = vector.broadcast %add3A_276 : i32 to vector<16xi32>
        %add3A_301 = arith.addi %iota3A, %add3A_300 : vector<16xi32>
        tpu.vector_store_idx %arg16[%add3A_299], %add3A_301 masked %lt3A_293 : memref<160xi32, #tpu.memory_space<vmem>>[vector<16xi32>], vector<16xi32>, vector<16xi1>
        %all_reduce_population_count3A_302 = tpu.all_reduce %lt3A_293 {dim = 0 : i64, kind = #tpu.reduction_kind<sum>} : vector<16xi1> -> vector<16xi32>
        %add3A_303 = arith.addi %add3A_272, %all_reduce_population_count3A_302 : vector<16xi32>
        %mul3A_304 = arith.constant 128 : i32
        %mul3A_305 = arith.muli %while3A_86, %mul3A_304 : i32
        %add3A_306 = arith.constant 112 : i32
        %add3A_307 = arith.addi %mul3A_305, %add3A_306 : i32
        %get3A_308 = arith.index_cast %add3A_307 : i32 to index
        %get3A_309 = tpu.vector_load %arg13[%get3A_308] {strides = array<i32>} : memref<4096xf32, #tpu.memory_space<vmem>>, vector<16xf32>,
        %sub3A_310 = arith.subf %get3A_309, %gather3A : vector<16xf32>
        %get3A_311 = arith.index_cast %add3A_307 : i32 to index
        %get3A_312 = tpu.vector_load %arg14[%get3A_311] {strides = array<i32>} : memref<4096xf32, #tpu.memory_space<vmem>>, vector<16xf32>,
        %sub3A_313 = arith.subf %get3A_312, %gather3A_38 : vector<16xf32>
        %get3A_314 = arith.index_cast %add3A_307 : i32 to index
        %get3A_315 = tpu.vector_load %arg15[%get3A_314] {strides = array<i32>} : memref<4096xf32, #tpu.memory_space<vmem>>, vector<16xf32>,
        %sub3A_316 = arith.subf %get3A_315, %gather3A_39 : vector<16xf32>
        %mul3A_317 = arith.mulf %sub3A_310, %sub3A_310 : vector<16xf32>
        %mul3A_318 = arith.mulf %sub3A_313, %sub3A_313 : vector<16xf32>
        %add3A_319 = arith.addf %mul3A_317, %mul3A_318 : vector<16xf32>
        %mul3A_320 = arith.mulf %sub3A_316, %sub3A_316 : vector<16xf32>
        %add3A_321 = arith.addf %add3A_319, %mul3A_320 : vector<16xf32>
        %lt3A_322 = arith.constant 4.000000e-02 : f32
        %lt3A_323 = vector.broadcast %lt3A_322 : f32 to vector<16xf32>
        %lt3A_324 = arith.cmpf olt, %add3A_321, %lt3A_323 : vector<16xf32>
        %select_n3A_325 = arith.select %lt3A_324, %broadcast_in_dim3A_23, %broadcast_in_dim3A_21 : vector<16xi1>, vector<16xi32>
        %broadcast_in_dim3A_326 = arith.constant true
        %broadcast_in_dim3A_327 = vector.broadcast %broadcast_in_dim3A_326 : i1 to vector<16xi1>
        %masked_cumsum3A_328 = tpu.scan <sum>, %select_n3A_325 masked %broadcast_in_dim3A_327 : vector<16xi32>, vector<16xi1> -> vector<16xi32>
        %sub3A_329 = arith.subi %add3A_303, %broadcast_in_dim3A_23 : vector<16xi32>
        %add3A_330 = arith.addi %masked_cumsum3A_328, %sub3A_329 : vector<16xi32>
        %add3A_331 = vector.broadcast %add3A_307 : i32 to vector<16xi32>
        %add3A_332 = arith.addi %iota3A, %add3A_331 : vector<16xi32>
        tpu.vector_store_idx %arg16[%add3A_330], %add3A_332 masked %lt3A_324 : memref<160xi32, #tpu.memory_space<vmem>>[vector<16xi32>], vector<16xi32>, vector<16xi1>
        %all_reduce_population_count3A_333 = tpu.all_reduce %lt3A_324 {dim = 0 : i64, kind = #tpu.reduction_kind<sum>} : vector<16xi1> -> vector<16xi32>
        %add3A_334 = arith.addi %add3A_303, %all_reduce_population_count3A_333 : vector<16xi32>
        %add3A_335 = arith.constant 1 : i32
        %add3A_336 = arith.addi %while3A_86, %add3A_335 : i32
        %reduce_max3A = arith.constant true
        %reduce_max3A_337 = vector.broadcast %reduce_max3A : i1 to vector<16xi1>
        %reduce_max3A_338 = arith.constant -2147483648 : i32
        %reduce_max3A_339 = vector.broadcast %reduce_max3A_338 : i32 to vector<16xi32>
        %reduce_max3A_340 = arith.xori %add3A_334, %reduce_max3A_339 : vector<16xi32>
        %reduce_max3A_341 = tpu.scan <max>, %reduce_max3A_340 masked %reduce_max3A_337 : vector<16xi32>, vector<16xi1> -> vector<16xi32>
        %reduce_max3A_342 = arith.xori %reduce_max3A_341, %reduce_max3A_339 : vector<16xi32>
        %reduce_max3A_343 = vector.extract %reduce_max3A_342[15] : i32 from vector<16xi32>
        scf.yield %add3A_336, %add3A_334, %reduce_max3A_343 : i32, vector<16xi32>, i32
      }
      %broadcast_in_dim3A_42 = vector.broadcast %while3A_41#2 : i32 to vector<16xi32>
      %get3A = arith.constant 0 : index
      %get3A_43 = tpu.vector_load %arg16[%get3A] {strides = array<i32>} : memref<160xi32, #tpu.memory_space<vmem>>, vector<16xi32>,
      %eq3A = arith.constant 0 : i32
      %eq3A_44 = vector.broadcast %eq3A : i32 to vector<16xi32>
      %eq3A_45 = arith.cmpi eq, %iota3A, %eq3A_44 : vector<16xi32>
      %neg3A = arith.constant 0 : i32
      %neg3A_46 = vector.broadcast %neg3A : i32 to vector<16xi32>
      %neg3A_47 = arith.subi %neg3A_46, %broadcast_in_dim3A_23 : vector<16xi32>
      %select_n3A_48 = arith.select %eq3A_45, %get3A_43, %neg3A_47 : vector<16xi1>, vector<16xi32>
      %broadcast_in_dim3A_49 = arith.constant true
      %broadcast_in_dim3A_50 = vector.broadcast %broadcast_in_dim3A_49 : i1 to vector<16xi1>
      %masked_cummax3A = arith.constant -2147483648 : i32
      %masked_cummax3A_51 = vector.broadcast %masked_cummax3A : i32 to vector<16xi32>
      %masked_cummax3A_52 = arith.xori %select_n3A_48, %masked_cummax3A_51 : vector<16xi32>
      %masked_cummax3A_53 = tpu.scan <max>, %masked_cummax3A_52 masked %broadcast_in_dim3A_50 : vector<16xi32>, vector<16xi1> -> vector<16xi32>
      %masked_cummax3A_54 = arith.xori %masked_cummax3A_53, %masked_cummax3A_51 : vector<16xi32>
      %gt3A = arith.constant 0 : i32
      %gt3A_55 = vector.broadcast %gt3A : i32 to vector<16xi32>
      %gt3A_56 = arith.cmpi sgt, %broadcast_in_dim3A_42, %gt3A_55 : vector<16xi32>
      %broadcast_in_dim3A_57 = arith.constant 4095 : i32
      %broadcast_in_dim3A_58 = vector.broadcast %broadcast_in_dim3A_57 : i32 to vector<16xi32>
      %select_n3A_59 = arith.select %gt3A_56, %masked_cummax3A_54, %broadcast_in_dim3A_58 : vector<16xi1>, vector<16xi32>
      %add3A_60 = arith.constant 0 : i32
      %add3A_61 = vector.broadcast %add3A_60 : i32 to vector<16xi32>
      %add3A_62 = arith.addi %iota3A, %add3A_61 : vector<16xi32>
      %get3A_63 = arith.constant 0 : index
      %get3A_64 = tpu.vector_load %arg16[%get3A_63] {strides = array<i32>} : memref<160xi32, #tpu.memory_space<vmem>>, vector<16xi32>,
      %lt3A = arith.cmpi slt, %add3A_62, %broadcast_in_dim3A_42 : vector<16xi32>
      %select_n3A_65 = arith.select %lt3A, %get3A_64, %select_n3A_59 : vector<16xi1>, vector<16xi32>
      %add3A_66 = arith.addi %select_n3A_65, %broadcast_in_dim3A_24 : vector<16xi32>
      %mul3A_67 = arith.constant 32 : i32
      %mul3A_68 = arith.muli %scan3A_36, %mul3A_67 : i32
      %add3A_69 = arith.constant 0 : i32
      %add3A_70 = arith.addi %mul3A_68, %add3A_69 : i32
      %swap3A = arith.index_cast %add3A_70 : i32 to index
      %swap3A_71 = tpu.vector_load %arg17[%swap3A] {strides = array<i32>} : memref<8192xi32, #tpu.memory_space<vmem>>, vector<16xi32>,
      tpu.vector_store %arg17[%swap3A], %add3A_66 {strides = array<i32>} : memref<8192xi32, #tpu.memory_space<vmem>>, vector<16xi32>,
      %add3A_72 = arith.constant 16 : i32
      %add3A_73 = vector.broadcast %add3A_72 : i32 to vector<16xi32>
      %add3A_74 = arith.addi %iota3A, %add3A_73 : vector<16xi32>
      %get3A_75 = arith.constant 16 : index
      %get3A_76 = tpu.vector_load %arg16[%get3A_75] {strides = array<i32>} : memref<160xi32, #tpu.memory_space<vmem>>, vector<16xi32>,
      %lt3A_77 = arith.cmpi slt, %add3A_74, %broadcast_in_dim3A_42 : vector<16xi32>
      %select_n3A_78 = arith.select %lt3A_77, %get3A_76, %select_n3A_59 : vector<16xi1>, vector<16xi32>
      %add3A_79 = arith.addi %select_n3A_78, %broadcast_in_dim3A_24 : vector<16xi32>
      %mul3A_80 = arith.constant 32 : i32
      %mul3A_81 = arith.muli %scan3A_36, %mul3A_80 : i32
      %add3A_82 = arith.constant 16 : i32
      %add3A_83 = arith.addi %mul3A_81, %add3A_82 : i32
      %swap3A_84 = arith.index_cast %add3A_83 : i32 to index
      %swap3A_85 = tpu.vector_load %arg17[%swap3A_84] {strides = array<i32>} : memref<8192xi32, #tpu.memory_space<vmem>>, vector<16xi32>,
      tpu.vector_store %arg17[%swap3A_84], %add3A_79 {strides = array<i32>} : memref<8192xi32, #tpu.memory_space<vmem>>, vector<16xi32>,
    }
    %scan3A_29 = arith.constant 256 : i32
    %scan3A_30 = arith.constant 0 : i32
    %scan3A_31 = arith.constant 0 : i32
    %scan3A_32 = arith.constant 64 : i32
    %scan3A_33 = arith.addi %scan3A_31, %scan3A_32 : i32
    %scan3A_34 = arith.constant 1 : i32
    scf.for %scan3A_36 = %scan3A_31 to %scan3A_33 step %scan3A_34  : i32 {
      %mul3A_37 = arith.constant 128 : i32
      %mul3A_38 = arith.muli %scan3A_36, %mul3A_37 : i32
      %dma_start3A = tpu.memref_slice %arg17[%mul3A_38] : memref<8192xi32, #tpu.memory_space<vmem>> -> memref<128xi32, #tpu.memory_space<vmem>>
      %dma_start3A_39 = arith.constant 0 : i32
      %dma_start3A_40 = arith.constant 0 : i32
      %dma_start3A_41 = tpu.memref_slice %arg8[%dma_start3A_39, %dma_start3A_40] : memref<32768x64xf32, #tpu.memory_space<hbm>> -> memref<32768x64xf32, #tpu.memory_space<hbm>>
      tpu.enqueue_indirect_dma source(%dma_start3A_41 : memref<32768x64xf32, #tpu.memory_space<hbm>>) target(%arg18 : memref<128x64xf32, #tpu.memory_space<vmem>>) offsets(%dma_start3A : memref<128xi32, #tpu.memory_space<vmem>>) semaphore(%arg20 : memref<!tpu.dma_semaphore, #tpu.memory_space<semaphore_mem>>)
      %dma_wait3A = tpu.memref_slice %arg17[%mul3A_38] : memref<8192xi32, #tpu.memory_space<vmem>> -> memref<128xi32, #tpu.memory_space<vmem>>
      %dma_wait3A_42 = arith.constant 0 : i32
      %dma_wait3A_43 = arith.constant 0 : i32
      %dma_wait3A_44 = tpu.memref_slice %arg8[%dma_wait3A_42, %dma_wait3A_43] : memref<32768x64xf32, #tpu.memory_space<hbm>> -> memref<32768x64xf32, #tpu.memory_space<hbm>>
      tpu.wait_indirect_dma semaphore(%arg20 : memref<!tpu.dma_semaphore, #tpu.memory_space<semaphore_mem>>) src(%dma_wait3A_44 : memref<32768x64xf32, #tpu.memory_space<hbm>>) dst(%arg18 : memref<128x64xf32, #tpu.memory_space<vmem>>)
      %parallel_loop3A = arith.constant 0 : i32
      %parallel_loop3A_45 = arith.constant 128 : i32
      %parallel_loop3A_46 = arith.constant 1 : i32
      scf.for %parallel_loop3A_316 = %parallel_loop3A to %parallel_loop3A_45 step %parallel_loop3A_46  : i32 {
        %parallel_loop3A_317 = arith.constant 67 : i32
        %parallel_loop3A_318 = arith.muli %parallel_loop3A_316, %parallel_loop3A_317 : i32
        %parallel_loop3A_319 = arith.constant 3 : i32
        %parallel_loop3A_320 = arith.addi %parallel_loop3A_318, %parallel_loop3A_319 : i32
        %parallel_loop3A_321 = arith.index_cast %parallel_loop3A_316 : i32 to index
        %parallel_loop3A_322 = arith.constant 0 : index
        %parallel_loop3A_323 = tpu.vector_load %arg18[%parallel_loop3A_321, %parallel_loop3A_322] {strides = array<i32>} : memref<128x64xf32, #tpu.memory_space<vmem>>, vector<16xf32>,
        %parallel_loop3A_324 = arith.constant 0 : i32
        %parallel_loop3A_325 = arith.addi %parallel_loop3A_320, %parallel_loop3A_324 : i32
        %parallel_loop3A_326 = vector.broadcast %parallel_loop3A_325 : i32 to vector<16xi32>
        %parallel_loop3A_327 = arith.addi %iota3A, %parallel_loop3A_326 : vector<16xi32>
        tpu.vector_store_idx %arg19[%parallel_loop3A_327], %parallel_loop3A_323 : memref<8576xf32, #tpu.memory_space<vmem>>[vector<16xi32>], vector<16xf32>,
        %parallel_loop3A_328 = arith.index_cast %parallel_loop3A_316 : i32 to index
        %parallel_loop3A_329 = arith.constant 16 : index
        %parallel_loop3A_330 = tpu.vector_load %arg18[%parallel_loop3A_328, %parallel_loop3A_329] {strides = array<i32>} : memref<128x64xf32, #tpu.memory_space<vmem>>, vector<16xf32>,
        %parallel_loop3A_331 = arith.constant 16 : i32
        %parallel_loop3A_332 = arith.addi %parallel_loop3A_320, %parallel_loop3A_331 : i32
        %parallel_loop3A_333 = vector.broadcast %parallel_loop3A_332 : i32 to vector<16xi32>
        %parallel_loop3A_334 = arith.addi %iota3A, %parallel_loop3A_333 : vector<16xi32>
        tpu.vector_store_idx %arg19[%parallel_loop3A_334], %parallel_loop3A_330 : memref<8576xf32, #tpu.memory_space<vmem>>[vector<16xi32>], vector<16xf32>,
        %parallel_loop3A_335 = arith.index_cast %parallel_loop3A_316 : i32 to index
        %parallel_loop3A_336 = arith.constant 32 : index
        %parallel_loop3A_337 = tpu.vector_load %arg18[%parallel_loop3A_335, %parallel_loop3A_336] {strides = array<i32>} : memref<128x64xf32, #tpu.memory_space<vmem>>, vector<16xf32>,
        %parallel_loop3A_338 = arith.constant 32 : i32
        %parallel_loop3A_339 = arith.addi %parallel_loop3A_320, %parallel_loop3A_338 : i32
        %parallel_loop3A_340 = vector.broadcast %parallel_loop3A_339 : i32 to vector<16xi32>
        %parallel_loop3A_341 = arith.addi %iota3A, %parallel_loop3A_340 : vector<16xi32>
        tpu.vector_store_idx %arg19[%parallel_loop3A_341], %parallel_loop3A_337 : memref<8576xf32, #tpu.memory_space<vmem>>[vector<16xi32>], vector<16xf32>,
        %parallel_loop3A_342 = arith.index_cast %parallel_loop3A_316 : i32 to index
        %parallel_loop3A_343 = arith.constant 48 : index
        %parallel_loop3A_344 = tpu.vector_load %arg18[%parallel_loop3A_342, %parallel_loop3A_343] {strides = array<i32>} : memref<128x64xf32, #tpu.memory_space<vmem>>, vector<16xf32>,
        %parallel_loop3A_345 = arith.constant 48 : i32
        %parallel_loop3A_346 = arith.addi %parallel_loop3A_320, %parallel_loop3A_345 : i32
        %parallel_loop3A_347 = vector.broadcast %parallel_loop3A_346 : i32 to vector<16xi32>
        %parallel_loop3A_348 = arith.addi %iota3A, %parallel_loop3A_347 : vector<16xi32>
        tpu.vector_store_idx %arg19[%parallel_loop3A_348], %parallel_loop3A_344 : memref<8576xf32, #tpu.memory_space<vmem>>[vector<16xi32>], vector<16xf32>,
      } {sc.loop_unroll_factor = 4 : i64, sc.parallel_access}
      %mul3A_47 = arith.constant 4 : i32
      %mul3A_48 = arith.muli %scan3A_36, %mul3A_47 : i32
      %add3A_49 = arith.constant 0 : i32
      %add3A_50 = arith.addi %mul3A_48, %add3A_49 : i32
      %broadcast_in_dim3A_51 = vector.broadcast %add3A_50 : i32 to vector<16xi32>
      %mul3A_52 = arith.constant 128 : i32
      %mul3A_53 = arith.muli %scan3A_36, %mul3A_52 : i32
      %add3A_54 = arith.constant 0 : i32
      %add3A_55 = arith.addi %mul3A_53, %add3A_54 : i32
      %get3A = arith.index_cast %add3A_55 : i32 to index
      %get3A_56 = tpu.vector_load %arg17[%get3A] {strides = array<i32>} : memref<8192xi32, #tpu.memory_space<vmem>>, vector<16xi32>,
      %sub3A_57 = arith.subi %get3A_56, %broadcast_in_dim3A_24 : vector<16xi32>
      %gather3A = tpu.vector_load_idx %arg13[%sub3A_57] : memref<4096xf32, #tpu.memory_space<vmem>>[vector<16xi32>], vector<16xf32>,
      %gather3A_58 = tpu.vector_load_idx %arg10[%broadcast_in_dim3A_51] : memref<256xf32, #tpu.memory_space<vmem>>[vector<16xi32>], vector<16xf32>,
      %sub3A_59 = arith.subf %gather3A, %gather3A_58 : vector<16xf32>
      %gather3A_60 = tpu.vector_load_idx %arg14[%sub3A_57] : memref<4096xf32, #tpu.memory_space<vmem>>[vector<16xi32>], vector<16xf32>,
      %gather3A_61 = tpu.vector_load_idx %arg11[%broadcast_in_dim3A_51] : memref<256xf32, #tpu.memory_space<vmem>>[vector<16xi32>], vector<16xf32>,
      %sub3A_62 = arith.subf %gather3A_60, %gather3A_61 : vector<16xf32>
      %gather3A_63 = tpu.vector_load_idx %arg15[%sub3A_57] : memref<4096xf32, #tpu.memory_space<vmem>>[vector<16xi32>], vector<16xf32>,
      %gather3A_64 = tpu.vector_load_idx %arg12[%broadcast_in_dim3A_51] : memref<256xf32, #tpu.memory_space<vmem>>[vector<16xi32>], vector<16xf32>,
      %sub3A_65 = arith.subf %gather3A_63, %gather3A_64 : vector<16xf32>
      %add3A_66 = arith.constant 0 : i32
      %add3A_67 = vector.broadcast %add3A_66 : i32 to vector<16xi32>
      %add3A_68 = arith.addi %iota3A, %add3A_67 : vector<16xi32>
      %mul3A_69 = arith.constant 67 : i32
      %mul3A_70 = vector.broadcast %mul3A_69 : i32 to vector<16xi32>
      %mul3A_71 = arith.muli %add3A_68, %mul3A_70 : vector<16xi32>
      tpu.vector_store_idx %arg19[%mul3A_71], %sub3A_59 : memref<8576xf32, #tpu.memory_space<vmem>>[vector<16xi32>], vector<16xf32>,
      %add3A_72 = arith.constant 1 : i32
      %add3A_73 = vector.broadcast %add3A_72 : i32 to vector<16xi32>
      %add3A_74 = arith.addi %mul3A_71, %add3A_73 : vector<16xi32>
      tpu.vector_store_idx %arg19[%add3A_74], %sub3A_62 : memref<8576xf32, #tpu.memory_space<vmem>>[vector<16xi32>], vector<16xf32>,
      %add3A_75 = arith.constant 2 : i32
      %add3A_76 = vector.broadcast %add3A_75 : i32 to vector<16xi32>
      %add3A_77 = arith.addi %mul3A_71, %add3A_76 : vector<16xi32>
      tpu.vector_store_idx %arg19[%add3A_77], %sub3A_65 : memref<8576xf32, #tpu.memory_space<vmem>>[vector<16xi32>], vector<16xf32>,
      %mul3A_78 = arith.constant 4 : i32
      %mul3A_79 = arith.muli %scan3A_36, %mul3A_78 : i32
      %add3A_80 = arith.constant 0 : i32
      %add3A_81 = arith.addi %mul3A_79, %add3A_80 : i32
      %broadcast_in_dim3A_82 = vector.broadcast %add3A_81 : i32 to vector<16xi32>
      %mul3A_83 = arith.constant 128 : i32
      %mul3A_84 = arith.muli %scan3A_36, %mul3A_83 : i32
      %add3A_85 = arith.constant 16 : i32
      %add3A_86 = arith.addi %mul3A_84, %add3A_85 : i32
      %get3A_87 = arith.index_cast %add3A_86 : i32 to index
      %get3A_88 = tpu.vector_load %arg17[%get3A_87] {strides = array<i32>} : memref<8192xi32, #tpu.memory_space<vmem>>, vector<16xi32>,
      %sub3A_89 = arith.subi %get3A_88, %broadcast_in_dim3A_24 : vector<16xi32>
      %gather3A_90 = tpu.vector_load_idx %arg13[%sub3A_89] : memref<4096xf32, #tpu.memory_space<vmem>>[vector<16xi32>], vector<16xf32>,
      %gather3A_91 = tpu.vector_load_idx %arg10[%broadcast_in_dim3A_82] : memref<256xf32, #tpu.memory_space<vmem>>[vector<16xi32>], vector<16xf32>,
      %sub3A_92 = arith.subf %gather3A_90, %gather3A_91 : vector<16xf32>
      %gather3A_93 = tpu.vector_load_idx %arg14[%sub3A_89] : memref<4096xf32, #tpu.memory_space<vmem>>[vector<16xi32>], vector<16xf32>,
      %gather3A_94 = tpu.vector_load_idx %arg11[%broadcast_in_dim3A_82] : memref<256xf32, #tpu.memory_space<vmem>>[vector<16xi32>], vector<16xf32>,
      %sub3A_95 = arith.subf %gather3A_93, %gather3A_94 : vector<16xf32>
      %gather3A_96 = tpu.vector_load_idx %arg15[%sub3A_89] : memref<4096xf32, #tpu.memory_space<vmem>>[vector<16xi32>], vector<16xf32>,
      %gather3A_97 = tpu.vector_load_idx %arg12[%broadcast_in_dim3A_82] : memref<256xf32, #tpu.memory_space<vmem>>[vector<16xi32>], vector<16xf32>,
      %sub3A_98 = arith.subf %gather3A_96, %gather3A_97 : vector<16xf32>
      %add3A_99 = arith.constant 16 : i32
      %add3A_100 = vector.broadcast %add3A_99 : i32 to vector<16xi32>
      %add3A_101 = arith.addi %iota3A, %add3A_100 : vector<16xi32>
      %mul3A_102 = arith.constant 67 : i32
      %mul3A_103 = vector.broadcast %mul3A_102 : i32 to vector<16xi32>
      %mul3A_104 = arith.muli %add3A_101, %mul3A_103 : vector<16xi32>
      tpu.vector_store_idx %arg19[%mul3A_104], %sub3A_92 : memref<8576xf32, #tpu.memory_space<vmem>>[vector<16xi32>], vector<16xf32>,
      %add3A_105 = arith.constant 1 : i32
      %add3A_106 = vector.broadcast %add3A_105 : i32 to vector<16xi32>
      %add3A_107 = arith.addi %mul3A_104, %add3A_106 : vector<16xi32>
      tpu.vector_store_idx %arg19[%add3A_107], %sub3A_95 : memref<8576xf32, #tpu.memory_space<vmem>>[vector<16xi32>], vector<16xf32>,
      %add3A_108 = arith.constant 2 : i32
      %add3A_109 = vector.broadcast %add3A_108 : i32 to vector<16xi32>
      %add3A_110 = arith.addi %mul3A_104, %add3A_109 : vector<16xi32>
      tpu.vector_store_idx %arg19[%add3A_110], %sub3A_98 : memref<8576xf32, #tpu.memory_space<vmem>>[vector<16xi32>], vector<16xf32>,
      %mul3A_111 = arith.constant 4 : i32
      %mul3A_112 = arith.muli %scan3A_36, %mul3A_111 : i32
      %add3A_113 = arith.constant 1 : i32
      %add3A_114 = arith.addi %mul3A_112, %add3A_113 : i32
      %broadcast_in_dim3A_115 = vector.broadcast %add3A_114 : i32 to vector<16xi32>
      %mul3A_116 = arith.constant 128 : i32
      %mul3A_117 = arith.muli %scan3A_36, %mul3A_116 : i32
      %add3A_118 = arith.constant 32 : i32
      %add3A_119 = arith.addi %mul3A_117, %add3A_118 : i32
      %get3A_120 = arith.index_cast %add3A_119 : i32 to index
      %get3A_121 = tpu.vector_load %arg17[%get3A_120] {strides = array<i32>} : memref<8192xi32, #tpu.memory_space<vmem>>, vector<16xi32>,
      %sub3A_122 = arith.subi %get3A_121, %broadcast_in_dim3A_24 : vector<16xi32>
      %gather3A_123 = tpu.vector_load_idx %arg13[%sub3A_122] : memref<4096xf32, #tpu.memory_space<vmem>>[vector<16xi32>], vector<16xf32>,
      %gather3A_124 = tpu.vector_load_idx %arg10[%broadcast_in_dim3A_115] : memref<256xf32, #tpu.memory_space<vmem>>[vector<16xi32>], vector<16xf32>,
      %sub3A_125 = arith.subf %gather3A_123, %gather3A_124 : vector<16xf32>
      %gather3A_126 = tpu.vector_load_idx %arg14[%sub3A_122] : memref<4096xf32, #tpu.memory_space<vmem>>[vector<16xi32>], vector<16xf32>,
      %gather3A_127 = tpu.vector_load_idx %arg11[%broadcast_in_dim3A_115] : memref<256xf32, #tpu.memory_space<vmem>>[vector<16xi32>], vector<16xf32>,
      %sub3A_128 = arith.subf %gather3A_126, %gather3A_127 : vector<16xf32>
      %gather3A_129 = tpu.vector_load_idx %arg15[%sub3A_122] : memref<4096xf32, #tpu.memory_space<vmem>>[vector<16xi32>], vector<16xf32>,
      %gather3A_130 = tpu.vector_load_idx %arg12[%broadcast_in_dim3A_115] : memref<256xf32, #tpu.memory_space<vmem>>[vector<16xi32>], vector<16xf32>,
      %sub3A_131 = arith.subf %gather3A_129, %gather3A_130 : vector<16xf32>
      %add3A_132 = arith.constant 32 : i32
      %add3A_133 = vector.broadcast %add3A_132 : i32 to vector<16xi32>
      %add3A_134 = arith.addi %iota3A, %add3A_133 : vector<16xi32>
      %mul3A_135 = arith.constant 67 : i32
      %mul3A_136 = vector.broadcast %mul3A_135 : i32 to vector<16xi32>
      %mul3A_137 = arith.muli %add3A_134, %mul3A_136 : vector<16xi32>
      tpu.vector_store_idx %arg19[%mul3A_137], %sub3A_125 : memref<8576xf32, #tpu.memory_space<vmem>>[vector<16xi32>], vector<16xf32>,
      %add3A_138 = arith.constant 1 : i32
      %add3A_139 = vector.broadcast %add3A_138 : i32 to vector<16xi32>
      %add3A_140 = arith.addi %mul3A_137, %add3A_139 : vector<16xi32>
      tpu.vector_store_idx %arg19[%add3A_140], %sub3A_128 : memref<8576xf32, #tpu.memory_space<vmem>>[vector<16xi32>], vector<16xf32>,
      %add3A_141 = arith.constant 2 : i32
      %add3A_142 = vector.broadcast %add3A_141 : i32 to vector<16xi32>
      %add3A_143 = arith.addi %mul3A_137, %add3A_142 : vector<16xi32>
      tpu.vector_store_idx %arg19[%add3A_143], %sub3A_131 : memref<8576xf32, #tpu.memory_space<vmem>>[vector<16xi32>], vector<16xf32>,
      %mul3A_144 = arith.constant 4 : i32
      %mul3A_145 = arith.muli %scan3A_36, %mul3A_144 : i32
      %add3A_146 = arith.constant 1 : i32
      %add3A_147 = arith.addi %mul3A_145, %add3A_146 : i32
      %broadcast_in_dim3A_148 = vector.broadcast %add3A_147 : i32 to vector<16xi32>
      %mul3A_149 = arith.constant 128 : i32
      %mul3A_150 = arith.muli %scan3A_36, %mul3A_149 : i32
      %add3A_151 = arith.constant 48 : i32
      %add3A_152 = arith.addi %mul3A_150, %add3A_151 : i32
      %get3A_153 = arith.index_cast %add3A_152 : i32 to index
      %get3A_154 = tpu.vector_load %arg17[%get3A_153] {strides = array<i32>} : memref<8192xi32, #tpu.memory_space<vmem>>, vector<16xi32>,
      %sub3A_155 = arith.subi %get3A_154, %broadcast_in_dim3A_24 : vector<16xi32>
      %gather3A_156 = tpu.vector_load_idx %arg13[%sub3A_155] : memref<4096xf32, #tpu.memory_space<vmem>>[vector<16xi32>], vector<16xf32>,
      %gather3A_157 = tpu.vector_load_idx %arg10[%broadcast_in_dim3A_148] : memref<256xf32, #tpu.memory_space<vmem>>[vector<16xi32>], vector<16xf32>,
      %sub3A_158 = arith.subf %gather3A_156, %gather3A_157 : vector<16xf32>
      %gather3A_159 = tpu.vector_load_idx %arg14[%sub3A_155] : memref<4096xf32, #tpu.memory_space<vmem>>[vector<16xi32>], vector<16xf32>,
      %gather3A_160 = tpu.vector_load_idx %arg11[%broadcast_in_dim3A_148] : memref<256xf32, #tpu.memory_space<vmem>>[vector<16xi32>], vector<16xf32>,
      %sub3A_161 = arith.subf %gather3A_159, %gather3A_160 : vector<16xf32>
      %gather3A_162 = tpu.vector_load_idx %arg15[%sub3A_155] : memref<4096xf32, #tpu.memory_space<vmem>>[vector<16xi32>], vector<16xf32>,
      %gather3A_163 = tpu.vector_load_idx %arg12[%broadcast_in_dim3A_148] : memref<256xf32, #tpu.memory_space<vmem>>[vector<16xi32>], vector<16xf32>,
      %sub3A_164 = arith.subf %gather3A_162, %gather3A_163 : vector<16xf32>
      %add3A_165 = arith.constant 48 : i32
      %add3A_166 = vector.broadcast %add3A_165 : i32 to vector<16xi32>
      %add3A_167 = arith.addi %iota3A, %add3A_166 : vector<16xi32>
      %mul3A_168 = arith.constant 67 : i32
      %mul3A_169 = vector.broadcast %mul3A_168 : i32 to vector<16xi32>
      %mul3A_170 = arith.muli %add3A_167, %mul3A_169 : vector<16xi32>
      tpu.vector_store_idx %arg19[%mul3A_170], %sub3A_158 : memref<8576xf32, #tpu.memory_space<vmem>>[vector<16xi32>], vector<16xf32>,
      %add3A_171 = arith.constant 1 : i32
      %add3A_172 = vector.broadcast %add3A_171 : i32 to vector<16xi32>
      %add3A_173 = arith.addi %mul3A_170, %add3A_172 : vector<16xi32>
      tpu.vector_store_idx %arg19[%add3A_173], %sub3A_161 : memref<8576xf32, #tpu.memory_space<vmem>>[vector<16xi32>], vector<16xf32>,
      %add3A_174 = arith.constant 2 : i32
      %add3A_175 = vector.broadcast %add3A_174 : i32 to vector<16xi32>
      %add3A_176 = arith.addi %mul3A_170, %add3A_175 : vector<16xi32>
      tpu.vector_store_idx %arg19[%add3A_176], %sub3A_164 : memref<8576xf32, #tpu.memory_space<vmem>>[vector<16xi32>], vector<16xf32>,
      %mul3A_177 = arith.constant 4 : i32
      %mul3A_178 = arith.muli %scan3A_36, %mul3A_177 : i32
      %add3A_179 = arith.constant 2 : i32
      %add3A_180 = arith.addi %mul3A_178, %add3A_179 : i32
      %broadcast_in_dim3A_181 = vector.broadcast %add3A_180 : i32 to vector<16xi32>
      %mul3A_182 = arith.constant 128 : i32
      %mul3A_183 = arith.muli %scan3A_36, %mul3A_182 : i32
      %add3A_184 = arith.constant 64 : i32
      %add3A_185 = arith.addi %mul3A_183, %add3A_184 : i32
      %get3A_186 = arith.index_cast %add3A_185 : i32 to index
      %get3A_187 = tpu.vector_load %arg17[%get3A_186] {strides = array<i32>} : memref<8192xi32, #tpu.memory_space<vmem>>, vector<16xi32>,
      %sub3A_188 = arith.subi %get3A_187, %broadcast_in_dim3A_24 : vector<16xi32>
      %gather3A_189 = tpu.vector_load_idx %arg13[%sub3A_188] : memref<4096xf32, #tpu.memory_space<vmem>>[vector<16xi32>], vector<16xf32>,
      %gather3A_190 = tpu.vector_load_idx %arg10[%broadcast_in_dim3A_181] : memref<256xf32, #tpu.memory_space<vmem>>[vector<16xi32>], vector<16xf32>,
      %sub3A_191 = arith.subf %gather3A_189, %gather3A_190 : vector<16xf32>
      %gather3A_192 = tpu.vector_load_idx %arg14[%sub3A_188] : memref<4096xf32, #tpu.memory_space<vmem>>[vector<16xi32>], vector<16xf32>,
      %gather3A_193 = tpu.vector_load_idx %arg11[%broadcast_in_dim3A_181] : memref<256xf32, #tpu.memory_space<vmem>>[vector<16xi32>], vector<16xf32>,
      %sub3A_194 = arith.subf %gather3A_192, %gather3A_193 : vector<16xf32>
      %gather3A_195 = tpu.vector_load_idx %arg15[%sub3A_188] : memref<4096xf32, #tpu.memory_space<vmem>>[vector<16xi32>], vector<16xf32>,
      %gather3A_196 = tpu.vector_load_idx %arg12[%broadcast_in_dim3A_181] : memref<256xf32, #tpu.memory_space<vmem>>[vector<16xi32>], vector<16xf32>,
      %sub3A_197 = arith.subf %gather3A_195, %gather3A_196 : vector<16xf32>
      %add3A_198 = arith.constant 64 : i32
      %add3A_199 = vector.broadcast %add3A_198 : i32 to vector<16xi32>
      %add3A_200 = arith.addi %iota3A, %add3A_199 : vector<16xi32>
      %mul3A_201 = arith.constant 67 : i32
      %mul3A_202 = vector.broadcast %mul3A_201 : i32 to vector<16xi32>
      %mul3A_203 = arith.muli %add3A_200, %mul3A_202 : vector<16xi32>
      tpu.vector_store_idx %arg19[%mul3A_203], %sub3A_191 : memref<8576xf32, #tpu.memory_space<vmem>>[vector<16xi32>], vector<16xf32>,
      %add3A_204 = arith.constant 1 : i32
      %add3A_205 = vector.broadcast %add3A_204 : i32 to vector<16xi32>
      %add3A_206 = arith.addi %mul3A_203, %add3A_205 : vector<16xi32>
      tpu.vector_store_idx %arg19[%add3A_206], %sub3A_194 : memref<8576xf32, #tpu.memory_space<vmem>>[vector<16xi32>], vector<16xf32>,
      %add3A_207 = arith.constant 2 : i32
      %add3A_208 = vector.broadcast %add3A_207 : i32 to vector<16xi32>
      %add3A_209 = arith.addi %mul3A_203, %add3A_208 : vector<16xi32>
      tpu.vector_store_idx %arg19[%add3A_209], %sub3A_197 : memref<8576xf32, #tpu.memory_space<vmem>>[vector<16xi32>], vector<16xf32>,
      %mul3A_210 = arith.constant 4 : i32
      %mul3A_211 = arith.muli %scan3A_36, %mul3A_210 : i32
      %add3A_212 = arith.constant 2 : i32
      %add3A_213 = arith.addi %mul3A_211, %add3A_212 : i32
      %broadcast_in_dim3A_214 = vector.broadcast %add3A_213 : i32 to vector<16xi32>
      %mul3A_215 = arith.constant 128 : i32
      %mul3A_216 = arith.muli %scan3A_36, %mul3A_215 : i32
      %add3A_217 = arith.constant 80 : i32
      %add3A_218 = arith.addi %mul3A_216, %add3A_217 : i32
      %get3A_219 = arith.index_cast %add3A_218 : i32 to index
      %get3A_220 = tpu.vector_load %arg17[%get3A_219] {strides = array<i32>} : memref<8192xi32, #tpu.memory_space<vmem>>, vector<16xi32>,
      %sub3A_221 = arith.subi %get3A_220, %broadcast_in_dim3A_24 : vector<16xi32>
      %gather3A_222 = tpu.vector_load_idx %arg13[%sub3A_221] : memref<4096xf32, #tpu.memory_space<vmem>>[vector<16xi32>], vector<16xf32>,
      %gather3A_223 = tpu.vector_load_idx %arg10[%broadcast_in_dim3A_214] : memref<256xf32, #tpu.memory_space<vmem>>[vector<16xi32>], vector<16xf32>,
      %sub3A_224 = arith.subf %gather3A_222, %gather3A_223 : vector<16xf32>
      %gather3A_225 = tpu.vector_load_idx %arg14[%sub3A_221] : memref<4096xf32, #tpu.memory_space<vmem>>[vector<16xi32>], vector<16xf32>,
      %gather3A_226 = tpu.vector_load_idx %arg11[%broadcast_in_dim3A_214] : memref<256xf32, #tpu.memory_space<vmem>>[vector<16xi32>], vector<16xf32>,
      %sub3A_227 = arith.subf %gather3A_225, %gather3A_226 : vector<16xf32>
      %gather3A_228 = tpu.vector_load_idx %arg15[%sub3A_221] : memref<4096xf32, #tpu.memory_space<vmem>>[vector<16xi32>], vector<16xf32>,
      %gather3A_229 = tpu.vector_load_idx %arg12[%broadcast_in_dim3A_214] : memref<256xf32, #tpu.memory_space<vmem>>[vector<16xi32>], vector<16xf32>,
      %sub3A_230 = arith.subf %gather3A_228, %gather3A_229 : vector<16xf32>
      %add3A_231 = arith.constant 80 : i32
      %add3A_232 = vector.broadcast %add3A_231 : i32 to vector<16xi32>
      %add3A_233 = arith.addi %iota3A, %add3A_232 : vector<16xi32>
      %mul3A_234 = arith.constant 67 : i32
      %mul3A_235 = vector.broadcast %mul3A_234 : i32 to vector<16xi32>
      %mul3A_236 = arith.muli %add3A_233, %mul3A_235 : vector<16xi32>
      tpu.vector_store_idx %arg19[%mul3A_236], %sub3A_224 : memref<8576xf32, #tpu.memory_space<vmem>>[vector<16xi32>], vector<16xf32>,
      %add3A_237 = arith.constant 1 : i32
      %add3A_238 = vector.broadcast %add3A_237 : i32 to vector<16xi32>
      %add3A_239 = arith.addi %mul3A_236, %add3A_238 : vector<16xi32>
      tpu.vector_store_idx %arg19[%add3A_239], %sub3A_227 : memref<8576xf32, #tpu.memory_space<vmem>>[vector<16xi32>], vector<16xf32>,
      %add3A_240 = arith.constant 2 : i32
      %add3A_241 = vector.broadcast %add3A_240 : i32 to vector<16xi32>
      %add3A_242 = arith.addi %mul3A_236, %add3A_241 : vector<16xi32>
      tpu.vector_store_idx %arg19[%add3A_242], %sub3A_230 : memref<8576xf32, #tpu.memory_space<vmem>>[vector<16xi32>], vector<16xf32>,
      %mul3A_243 = arith.constant 4 : i32
      %mul3A_244 = arith.muli %scan3A_36, %mul3A_243 : i32
      %add3A_245 = arith.constant 3 : i32
      %add3A_246 = arith.addi %mul3A_244, %add3A_245 : i32
      %broadcast_in_dim3A_247 = vector.broadcast %add3A_246 : i32 to vector<16xi32>
      %mul3A_248 = arith.constant 128 : i32
      %mul3A_249 = arith.muli %scan3A_36, %mul3A_248 : i32
      %add3A_250 = arith.constant 96 : i32
      %add3A_251 = arith.addi %mul3A_249, %add3A_250 : i32
      %get3A_252 = arith.index_cast %add3A_251 : i32 to index
      %get3A_253 = tpu.vector_load %arg17[%get3A_252] {strides = array<i32>} : memref<8192xi32, #tpu.memory_space<vmem>>, vector<16xi32>,
      %sub3A_254 = arith.subi %get3A_253, %broadcast_in_dim3A_24 : vector<16xi32>
      %gather3A_255 = tpu.vector_load_idx %arg13[%sub3A_254] : memref<4096xf32, #tpu.memory_space<vmem>>[vector<16xi32>], vector<16xf32>,
      %gather3A_256 = tpu.vector_load_idx %arg10[%broadcast_in_dim3A_247] : memref<256xf32, #tpu.memory_space<vmem>>[vector<16xi32>], vector<16xf32>,
      %sub3A_257 = arith.subf %gather3A_255, %gather3A_256 : vector<16xf32>
      %gather3A_258 = tpu.vector_load_idx %arg14[%sub3A_254] : memref<4096xf32, #tpu.memory_space<vmem>>[vector<16xi32>], vector<16xf32>,
      %gather3A_259 = tpu.vector_load_idx %arg11[%broadcast_in_dim3A_247] : memref<256xf32, #tpu.memory_space<vmem>>[vector<16xi32>], vector<16xf32>,
      %sub3A_260 = arith.subf %gather3A_258, %gather3A_259 : vector<16xf32>
      %gather3A_261 = tpu.vector_load_idx %arg15[%sub3A_254] : memref<4096xf32, #tpu.memory_space<vmem>>[vector<16xi32>], vector<16xf32>,
      %gather3A_262 = tpu.vector_load_idx %arg12[%broadcast_in_dim3A_247] : memref<256xf32, #tpu.memory_space<vmem>>[vector<16xi32>], vector<16xf32>,
      %sub3A_263 = arith.subf %gather3A_261, %gather3A_262 : vector<16xf32>
      %add3A_264 = arith.constant 96 : i32
      %add3A_265 = vector.broadcast %add3A_264 : i32 to vector<16xi32>
      %add3A_266 = arith.addi %iota3A, %add3A_265 : vector<16xi32>
      %mul3A_267 = arith.constant 67 : i32
      %mul3A_268 = vector.broadcast %mul3A_267 : i32 to vector<16xi32>
      %mul3A_269 = arith.muli %add3A_266, %mul3A_268 : vector<16xi32>
      tpu.vector_store_idx %arg19[%mul3A_269], %sub3A_257 : memref<8576xf32, #tpu.memory_space<vmem>>[vector<16xi32>], vector<16xf32>,
      %add3A_270 = arith.constant 1 : i32
      %add3A_271 = vector.broadcast %add3A_270 : i32 to vector<16xi32>
      %add3A_272 = arith.addi %mul3A_269, %add3A_271 : vector<16xi32>
      tpu.vector_store_idx %arg19[%add3A_272], %sub3A_260 : memref<8576xf32, #tpu.memory_space<vmem>>[vector<16xi32>], vector<16xf32>,
      %add3A_273 = arith.constant 2 : i32
      %add3A_274 = vector.broadcast %add3A_273 : i32 to vector<16xi32>
      %add3A_275 = arith.addi %mul3A_269, %add3A_274 : vector<16xi32>
      tpu.vector_store_idx %arg19[%add3A_275], %sub3A_263 : memref<8576xf32, #tpu.memory_space<vmem>>[vector<16xi32>], vector<16xf32>,
      %mul3A_276 = arith.constant 4 : i32
      %mul3A_277 = arith.muli %scan3A_36, %mul3A_276 : i32
      %add3A_278 = arith.constant 3 : i32
      %add3A_279 = arith.addi %mul3A_277, %add3A_278 : i32
      %broadcast_in_dim3A_280 = vector.broadcast %add3A_279 : i32 to vector<16xi32>
      %mul3A_281 = arith.constant 128 : i32
      %mul3A_282 = arith.muli %scan3A_36, %mul3A_281 : i32
      %add3A_283 = arith.constant 112 : i32
      %add3A_284 = arith.addi %mul3A_282, %add3A_283 : i32
      %get3A_285 = arith.index_cast %add3A_284 : i32 to index
      %get3A_286 = tpu.vector_load %arg17[%get3A_285] {strides = array<i32>} : memref<8192xi32, #tpu.memory_space<vmem>>, vector<16xi32>,
      %sub3A_287 = arith.subi %get3A_286, %broadcast_in_dim3A_24 : vector<16xi32>
      %gather3A_288 = tpu.vector_load_idx %arg13[%sub3A_287] : memref<4096xf32, #tpu.memory_space<vmem>>[vector<16xi32>], vector<16xf32>,
      %gather3A_289 = tpu.vector_load_idx %arg10[%broadcast_in_dim3A_280] : memref<256xf32, #tpu.memory_space<vmem>>[vector<16xi32>], vector<16xf32>,
      %sub3A_290 = arith.subf %gather3A_288, %gather3A_289 : vector<16xf32>
      %gather3A_291 = tpu.vector_load_idx %arg14[%sub3A_287] : memref<4096xf32, #tpu.memory_space<vmem>>[vector<16xi32>], vector<16xf32>,
      %gather3A_292 = tpu.vector_load_idx %arg11[%broadcast_in_dim3A_280] : memref<256xf32, #tpu.memory_space<vmem>>[vector<16xi32>], vector<16xf32>,
      %sub3A_293 = arith.subf %gather3A_291, %gather3A_292 : vector<16xf32>
      %gather3A_294 = tpu.vector_load_idx %arg15[%sub3A_287] : memref<4096xf32, #tpu.memory_space<vmem>>[vector<16xi32>], vector<16xf32>,
      %gather3A_295 = tpu.vector_load_idx %arg12[%broadcast_in_dim3A_280] : memref<256xf32, #tpu.memory_space<vmem>>[vector<16xi32>], vector<16xf32>,
      %sub3A_296 = arith.subf %gather3A_294, %gather3A_295 : vector<16xf32>
      %add3A_297 = arith.constant 112 : i32
      %add3A_298 = vector.broadcast %add3A_297 : i32 to vector<16xi32>
      %add3A_299 = arith.addi %iota3A, %add3A_298 : vector<16xi32>
      %mul3A_300 = arith.constant 67 : i32
      %mul3A_301 = vector.broadcast %mul3A_300 : i32 to vector<16xi32>
      %mul3A_302 = arith.muli %add3A_299, %mul3A_301 : vector<16xi32>
      tpu.vector_store_idx %arg19[%mul3A_302], %sub3A_290 : memref<8576xf32, #tpu.memory_space<vmem>>[vector<16xi32>], vector<16xf32>,
      %add3A_303 = arith.constant 1 : i32
      %add3A_304 = vector.broadcast %add3A_303 : i32 to vector<16xi32>
      %add3A_305 = arith.addi %mul3A_302, %add3A_304 : vector<16xi32>
      tpu.vector_store_idx %arg19[%add3A_305], %sub3A_293 : memref<8576xf32, #tpu.memory_space<vmem>>[vector<16xi32>], vector<16xf32>,
      %add3A_306 = arith.constant 2 : i32
      %add3A_307 = vector.broadcast %add3A_306 : i32 to vector<16xi32>
      %add3A_308 = arith.addi %mul3A_302, %add3A_307 : vector<16xi32>
      tpu.vector_store_idx %arg19[%add3A_308], %sub3A_296 : memref<8576xf32, #tpu.memory_space<vmem>>[vector<16xi32>], vector<16xf32>,
      %mul3A_309 = arith.constant 4 : i32
      %mul3A_310 = arith.muli %scan3A_36, %mul3A_309 : i32
      %add3A_311 = arith.addi %mul3A_2, %mul3A_310 : i32
      %mul3A_312 = arith.constant 32 : i32
      %mul3A_313 = arith.muli %add3A_311, %mul3A_312 : i32
      %mul3A_314 = arith.constant 67 : i32
      %mul3A_315 = arith.muli %mul3A_313, %mul3A_314 : i32
      "tpu.region"() ({
        %run_scoped3A = tpu.sem_alloc : memref<!tpu.dma_semaphore, #tpu.memory_space<semaphore_mem>>
        %dma_start3A_316 = tpu.memref_slice %arg9[%mul3A_315] : memref<17563648xf32, #tpu.memory_space<hbm>> -> memref<8576xf32, #tpu.memory_space<hbm>>
        %dma_start3A_317 = tpu.memref_slice %arg9[%mul3A_315] : memref<17563648xf32, #tpu.memory_space<hbm>> -> memref<8576xf32, #tpu.memory_space<hbm>>
        tpu.enqueue_dma source(%arg19 : memref<8576xf32, #tpu.memory_space<vmem>>) target(%dma_start3A_317 : memref<8576xf32, #tpu.memory_space<hbm>>) target_semaphore(%run_scoped3A : memref<!tpu.dma_semaphore, #tpu.memory_space<semaphore_mem>>)
        %dma_wait3A_318 = tpu.memref_slice %arg9[%mul3A_315] : memref<17563648xf32, #tpu.memory_space<hbm>> -> memref<8576xf32, #tpu.memory_space<hbm>>
        %dma_wait3A_319 = tpu.memref_slice %arg9[%mul3A_315] : memref<17563648xf32, #tpu.memory_space<hbm>> -> memref<8576xf32, #tpu.memory_space<hbm>>
        tpu.wait_dma2 semaphore(%run_scoped3A : memref<!tpu.dma_semaphore, #tpu.memory_space<semaphore_mem>>) src(%arg19 : memref<8576xf32, #tpu.memory_space<vmem>>) dst(%dma_wait3A_319 : memref<8576xf32, #tpu.memory_space<hbm>>)
        tpu.yield
      }) : () -> ()
    }
    %scan3A_35 = arith.constant 64 : i32
    return
  }
}

</mosaic_0001>

<sc_bundles>
// kernel: _run.3.cloned.1.call-start
scs
__scs_entry_jumppad:
0x0: {  	(pc) =	sbr.rel $0x88, $3  }
0x1: {  	(tag) =	ssettag $0x0;
	lr =	simm.s32 $0x1  }
0x2: {  	[smem:$0x3F9A] =	sst lr;
	_ =	strace $0xD0000000  }
0x3: {  	_ = 	snop  }
0x4: {  	_ = 	snop  }
0x5: {  	_ = 	snop  }
0x6: {  	_ = 	snop  }
0x7: {  	_ = 	snop  }
__scs_overlays_trampoline_lowered:
0x8: {  	[smem:$0x3FA9] =	sst s0  }
0x9: {  	[smem:$0x3FAA] =	sst s1  }
0xa: {  	[smem:$0x3FAB] =	sst s2  }
0xb: {  	[smem:$0x3FAC] =	sst s3  }
0xc: {  	[smem:$0x3FAD] =	sst s4  }
0xd: {  	[smem:$0x3FAE] =	sst s5  }
0xe: {  	[smem:$0x3FAF] =	sst s6  }
0xf: {  	[smem:$0x3FB0] =	sst s7  }
0x10: {  	[smem:$0x3FB1] =	sst s8  }
0x11: {  	[smem:$0x3FB2] =	sst s9;
	s0 =	simm.s32 @!p0 $0x0  }
0x12: {  	s1 =	sld [smem:$0x3F98];
	s0 =	simm.s32 @p0 $0x1  }
0x13: {  	[smem:$0x3FB3] =	sst s0;
	s0 =	simm.s32 @!p1 $0x0  }
0x14: {  	s2 =	sld [smem:$0x3F97];
	s0 =	simm.s32 @p1 $0x1  }
0x15: {  	[smem:$0x3FB4] =	sst s0;
	s0 =	simm.s32 @!p2 $0x0  }
0x16: {  	s3 =	sld [smem:$0x3FDB];
	s0 =	simm.s32 @p2 $0x1  }
0x17: {  	s4 =	simm.s32 $0x1BF5;
	[smem:$0x3FB6] =	sst s0  }
0x18: {  	s0 =	sld [smem:$0x3F99];
	_ =	swait.ge [sflag:s4], $0x0  }
0x19: {  	s7 =	sld [smem:$0x3F9A]  }
0x1a: {  	s8 =	sadd.s32 $0xFFFFE003, lr  }
0x1b: {  	s9 =	sadd.s32 $0xFFFFFEF7, lr;
	s5 =	simm.s32 $0xFFFFFFFF;
	p2 =	slt.u32 s8, $0xFFFFF086  }
0x1c: {  	p1 =	slt.u32 s9, $0xF7A;
	s5 =	simm.s32 @!p2 $0x0  }
0x1d: {  	s5 =	simm.s32 @p1 $0x1;
	p0 =	seq.s32 s7, s2  }
0x1e: {  	s7 =	smul.u32 @!p0 $0xF7A, s2;
	p2 =	seq.s32 @!p0 s5, $0x0  }
0x1f: {  	s9 =	smul.u32 $0xF7A, s1;
	s8 =	simm.s32 @!p0 $0x1BF5;
	p2 =	por !p2, p0  }
0x20: {  	[sflag:s8] =	ssyncset.s32 @!p0 $0xFFFFF086;
	s6 =	sadd.s32 @!p0 s3, s7;
	s7 =	simm.s32 @!p0 $0x108  }
0x21: {  	s3 =	sadd.s32 s3, s9;
	s6 =	sadd.s32 @!p0 $0x88, s6;
	s7 =	simm.s32 @p2 $0x1082  }
0x22: {  	[simem:s7], [sflag:s8] =	dma.local @!p0 [hbm:s6], $0xF7A  }
0x23: {  	s9 =	sor.u32 $0xD0000000, s2;
	s6 =	simm.s32 $0x108;
	_ =	swait.ge @!p0 [sflag:s8], $0x0  }
0x24: {  	s3 =	sadd.s32 $0x88, s3;
	s6 =	simm.s32 @!p1 $0x1082;
	[sflag:s4] =	ssyncset.s32 $0xFFFFF086  }
0x25: {  	[simem:s6], [sflag:s4] =	dma.local [hbm:s3], $0xF7A  }
0x26: {  	[smem:$0x3F9A] =	sst s1;
	(tag) =	ssettag s2;
	_ =	strace s9  }
0x27: {  	s1 =	sld [smem:$0x3FAA]  }
0x28: {  	s2 =	sld [smem:$0x3FAB]  }
0x29: {  	s4 =	sld [smem:$0x3FAD]  }
0x2a: {  	p0 =	seq.s32 s5, $0x0;
	s5 =	sld [smem:$0x3FAE]  }
0x2b: {  	s6 =	sld [smem:$0x3FAF]  }
0x2c: {  	s7 =	sld [smem:$0x3FB0]  }
0x2d: {  	s3 =	simm.s32 $0x108;
	s8 =	sld [smem:$0x3FB1]  }
0x2e: {  	s3 =	simm.s32 @!p0 $0x1082;
	s9 =	sld [smem:$0x3FB2]  }
0x2f: {  	lr =	sadd.s32 s0, s3;
	s0 =	sld [smem:$0x3FA9]  }
0x30: {  	s3 =	sld [smem:$0x3FAC]  }
0x31: {  	[smem:$0x3FB5] =	sst s10  }
0x32: {  	s10 =	sld [smem:$0x3FB3];
	_ =	sdelay $0x3  }
0x33: {  	p0 =	seq.s32 s10, $0x1;
	s10 =	sld [smem:$0x3FB5];
	_ =	sdelay $0x3  }
0x34: {  	[smem:$0x3FB5] =	sst s10  }
0x35: {  	s10 =	sld [smem:$0x3FB4];
	_ =	sdelay $0x3  }
0x36: {  	p1 =	seq.s32 s10, $0x1;
	s10 =	sld [smem:$0x3FB5];
	_ =	sdelay $0x3  }
0x37: {  	[smem:$0x3FB5] =	sst s10  }
0x38: {  	s10 =	sld [smem:$0x3FB6]  }
0x39: {  	_ = 	snop;
	(pc) =	sbr.ind lr, $3  }
0x3a: {  	_ = 	snop  }
0x3b: {  	_ = 	snop  }
0x3c: {  	p2 =	seq.s32 s10, $0x1;
	s10 =	sld [smem:$0x3FB5]  }
0x3d: {  	_ =	shalt  }
0x3e: {  	_ =	shalt  }
0x3f: {  	_ =	shalt  }
0x40: {  	_ =	shalt  }
0x41: {  	_ =	shalt  }
0x42: {  	_ =	shalt  }
0x43: {  	_ =	shalt  }
0x44: {  	_ =	shalt  }
0x45: {  	_ =	shalt  }
0x46: {  	_ =	shalt  }
0x47: {  	_ =	shalt  }
0x48: {  	_ =	shalt  }
0x49: {  	_ =	shalt  }
0x4a: {  	_ =	shalt  }
0x4b: {  	_ =	shalt  }
0x4c: {  	_ =	shalt  }
0x4d: {  	_ =	shalt  }
0x4e: {  	_ =	shalt  }
0x4f: {  	_ =	shalt  }
0x50: {  	_ =	shalt  }
0x51: {  	_ =	shalt  }
0x52: {  	_ =	shalt  }
0x53: {  	_ =	shalt  }
0x54: {  	_ =	shalt  }
0x55: {  	_ =	shalt  }
0x56: {  	_ =	shalt  }
0x57: {  	_ =	shalt  }
0x58: {  	_ =	shalt  }
0x59: {  	_ =	shalt  }
0x5a: {  	_ =	shalt  }
0x5b: {  	_ =	shalt  }
0x5c: {  	_ =	shalt  }
0x5d: {  	_ =	shalt  }
0x5e: {  	_ =	shalt  }
0x5f: {  	_ =	shalt  }
0x60: {  	_ =	shalt  }
0x61: {  	_ =	shalt  }
0x62: {  	_ =	shalt  }
0x63: {  	_ =	shalt  }
0x64: {  	_ =	shalt  }
0x65: {  	_ =	shalt  }
0x66: {  	_ =	shalt  }
0x67: {  	_ =	shalt  }
0x68: {  	_ =	shalt  }
0x69: {  	_ =	shalt  }
0x6a: {  	_ =	shalt  }
0x6b: {  	_ =	shalt  }
0x6c: {  	_ =	shalt  }
0x6d: {  	_ =	shalt  }
0x6e: {  	_ =	shalt  }
0x6f: {  	_ =	shalt  }
0x70: {  	_ =	shalt  }
0x71: {  	_ =	shalt  }
0x72: {  	_ =	shalt  }
0x73: {  	_ =	shalt  }
0x74: {  	_ =	shalt  }
0x75: {  	_ =	shalt  }
0x76: {  	_ =	shalt  }
0x77: {  	_ =	shalt  }
0x78: {  	_ =	shalt  }
0x79: {  	_ =	shalt  }
0x7a: {  	_ =	shalt  }
0x7b: {  	_ =	shalt  }
0x7c: {  	_ =	shalt  }
0x7d: {  	_ =	shalt  }
0x7e: {  	_ =	shalt  }
0x7f: {  	_ =	shalt  }
0x80: {  	_ =	shalt  }
0x81: {  	_ =	shalt  }
0x82: {  	_ =	shalt  }
0x83: {  	_ =	shalt  }
0x84: {  	_ =	shalt  }
0x85: {  	_ =	shalt  }
0x86: {  	_ =	shalt  }
0x87: {  	_ =	shalt  }
.Lfunc_end0:
.L_simem_size_0:
called_computation_lowered:
.L_overlay_start_0:
0x88: {  	s2 =	sld [smem:$0x3FD9]  }
0x89: {  	s3 =	sld [smem:$0x3FFE];
	_ =	sdelay $0x1  }
0x8a: {  	s1 =	srdreg.scid  }
0x8b: {  	s0 =	sand.u32 $0x1, s1  }
0x8c: {  	s17 =	sshll.u32 s0, $0xA;
	s2 =	sadd.s32 s3, s2  }
0x8d: {  	s2 =	sadd.s32 s2, s17  }
0x8e: {  	[smem:$0x3FC1] =	sst s2  }
0x8f: {  	_ = 	snop  }
0x90: {  	s2 =	sld [smem:$0x3FC9]  }
0x91: {  	s18 =	sld [smem:$0x3FC8]  }
0x92: {  	s4 =	sld [smem:$0x3FC7]  }
0x93: {  	s5 =	sld [smem:$0x3FC6]  }
0x94: {  	s6 =	sld [smem:$0x3FC5]  }
0x95: {  	s7 =	sld [smem:$0x3FC4]  }
0x96: {  	s8 =	sld [smem:$0x3FD0];
	(tm) =	ssettm $0x1  }
0x97: {  	s9 =	sld [smem:$0x3FFB];
	_ =	sdelay $0x3  }
0x98: {  	_ =	strace s9  }
0x99: {  	s9 =	sld [smem:$0x3FFC];
	_ =	sdelay $0x3  }
0x9a: {  	_ =	strace s9  }
0x9b: {  	s9 =	sld [smem:$0x3FFD];
	_ =	sdelay $0x3  }
0x9c: {  	_ =	strace s9  }
0x9d: {  	_ =	strace $0x8FFFFFFF  }
0x9e: {  	s19 =	sld [smem:$0x3FDB];
	_ =	sdelay $0x1  }
0x9f: {  	s10 =	simm.s32 $_scs_section_size  }
0xa0: {  	s11 =	simm.s32 $_size__tile_overlayer_lowered;
	s12 =	simm.s32 $_tile_overlayer_lowered  }
0xa1: {  	s22 =	simm.s32 $0x1BFF;
	s21 =	sshll.u32 s12, $0x1;
	s9 =	sadd.s32 s10, s19  }
0xa2: {  	s13 =	simm.s32 $0x0;
	s20 =	sshll.u32 s11, $0x1;
	s11 =	sadd.s32 s21, s9  }
0xa3: {  	[timem:s13], [sflag:s22] =	dma.local [hbm:s11], s20  }
0xa4: {  	_ =	swait.ge [sflag:s22], s20  }
0xa5: {  	s10 =	ssub.s32 $0x0, s20;
	[sflag:s22] =	ssyncset.done $0x0  }
0xa6: {  	[sflag:s22] =	ssyncadd.s32 s10;
	_ =	sdelay $0x1  }
0xa7: {  	s23 =	simm.s32 $0x1B8B  }
0xa8: {  	_ =	swait.ge [sflag:s23], $0x1  }
0xa9: {  	[sflag:s23] =	ssyncset.done $0x0  }
0xaa: {  	s25 =	simm.s32 $0x1B8E;
	s24 =	sld [smem:$0x3FFE];
	[sflag:s23] =	ssyncadd.s32 $0xFFFFFFFF  }
0xab: {  	s26 =	simm.s32 $execute0_lowered;
	[smem:$0x3FD2] =	sst s25  }
0xac: {  	s11 =	sshll.u32 s26, $0x1;
	_ =	strace $0x80000046;
	[dreg:$0x1] =	wrdreg $0xFFFFFFFF  }
0xad: {  	s28 =	simm.s32 $_size_execute0_lowered;
	s9 =	sadd.s32 s9, s11;
	[dreg:$0x0] =	wrdreg $0x0  }
0xae: {  	s11 =	sshll.u32 s28, $0x1;
	[dreg:$0x2] =	wrdreg s9  }
0xaf: {  	[dreg:$0x3] =	wrdreg s11  }
0xb0: {  	[dreg:$0x4] =	wrdreg $0xC0  }
0xb1: {  	_ =	task [dreg:s13], $0x5FFFF  }
0xb2: {  	[dreg:$0x1] =	wrdreg $0xFFFFFFFF  }
0xb3: {  	[dreg:$0x0] =	wrdreg $0x60  }
0xb4: {  	[dreg:$0x2] =	wrdreg s2  }
0xb5: {  	[dreg:$0x3] =	wrdreg s18  }
0xb6: {  	[dreg:$0x4] =	wrdreg s4  }
0xb7: {  	[dreg:$0x5] =	wrdreg s5  }
0xb8: {  	[dreg:$0x6] =	wrdreg s6  }
0xb9: {  	[dreg:$0x7] =	wrdreg s7  }
0xba: {  	[dreg:$0x8] =	wrdreg s24  }
0xbb: {  	[dreg:$0x9] =	wrdreg s8  }
0xbc: {  	[dreg:$0xa] =	wrdreg $0x9  }
0xbd: {  	_ =	task.clear_ibuf [dreg:s13], $0xBFFFF;
	_ =	strace $0x90000046  }
0xbe: {  	s29 =	simm.s32 $0x9;
	_ =	strace $0x80000048  }
0xbf: {  	_ =	swait.ge [sflag:s29], $0x1  }
0xc0: {  	[sflag:s29] =	ssyncadd.s32 $0xFFFFFFFF  }
0xc1: {  	_ =	strace $0x90000048  }
0xc2: {  	_ =	sfence  }
0xc3: {  	s30 =	sld [smem:$0x0];
	_ =	sdelay $0x2  }
0xc4: {  	s31 =	sshll.u32 s1, $0xD;
	s1 =	sshrl.u32 s1, $0x2  }
0xc5: {  	s3 =	sand.u32 $0x4000, s31;
	s1 =	sadd.s32 s1, s30  }
0xc6: {  	s0 =	sor.u32 s3, s0;
	s1 =	sshll.u32 s1, $0x11  }
0xc7: {  	s0 =	sor.u32 s1, s0  }
0xc8: {  	s0 =	sadd.s32 $0x8F2B, s0  }
0xc9: {  	[sflag:s0] =	ssyncadd.remote.s32 $0x1  }
0xca: {  	_ =	sfence.sel $0xFFFF  }
0xcb: {  	[dreg:$0x0] =	wrdreg $0xFFFFFFFF;
	(pc) =	sbr.abs _section_cstart, $3  }
0xcc: {  	[dreg:$0x1] =	wrdreg $0xFFFFFFFF  }
0xcd: {  	_ =	task.clear_ibuf [dreg:s13], $0x2FFFF;
	_ =	strace $0x9FFFFFFF  }
0xce: {  	(tm) =	ssettm $0x7FFFFFFF  }
0xcf: {  	_ =	shalt  }
tec
execute0_lowered:
.L_overlay_start_1:
0x0: {  	(tag) =	ssettag $0x1  }
0x1: {  	s0 =	rddreg [dreg:$0x0]  }
0x2: {  	s8 =	rddreg [dreg:$0x1]  }
0x3: {  	s9 =	rddreg [dreg:$0x2]  }
0x4: {  	s10 =	rddreg [dreg:$0x3]  }
0x5: {  	s11 =	rddreg [dreg:$0x4]  }
0x6: {  	s12 =	rddreg [dreg:$0x5]  }
0x7: {  	s4 =	rddreg [dreg:$0x6]  }
0x8: {  	s1 =	rddreg [dreg:$0x7]  }
0x9: {  	s2 =	srdreg.scid;
	s3 =	simm.s32 $0x0;
	s26 =	stileid.u32  }
0xa: {  	s13 =	simm.s32 $0x1;
	s16 =	simm.s32 $0x200;
	s17 =	simm.s32 $0x300  }
0xb: {  	s18 =	simm.s32 $0x1300;
	s19 =	simm.s32 $0x2300;
	s20 =	simm.s32 $0x3300  }
0xc: {  	s21 =	simm.s32 $0x80;
	s22 =	simm.s32 $0x53A0;
	s23 =	simm.s32 $0x73A0  }
0xd: {  	s24 =	simm.s32 $0x0;
	s5 =	sand.u32 $0x1, s2;
	[smem:$0x7FF] =	sst s3  }
0xe: {  	s7 =	sand.u32 $0x3, s26;
	s4 =	sadd.s32 $0x400, s4;
	s6 =	sshll.u32 s5, $0x4  }
0xf: {  	_ =	strace $0x80000047;
	s5 =	ssub.s32 $0x2, s5;
	s6 =	sor.u32 s26, s6  }
0x10: {  	p1 =	sne.s32 s7, $0x0;
	s28 =	sshrl.u32 s5, $0x1;
	p0 =	seq.s32 s6, $0x0  }
0x11: {  	v0 =	vlaneseq.u32;
	s14 =	ssub.s32 s5, s28;
	s29 =	sshrl.u32 s6, $0x2;
	p0 =	por !p1, !p0  }
0x12: {  	v2 =	vmul.u32 $0x43, v0;
	s5 =	sshll.u32 s6, $0x8;
	s30 =	sshll.u32 s6, $0x5;
	p0 =	por !p0, !p0  }
0x13: {  	v3 =	vimm.s32 $0x0;
	s6 =	simm.s32 $0x1;
	s0 =	sadd.s32 s0, s30;
	s13 =	simm.s32 @!p0 $0x0  }
0x14: {  	vm0 =	vmmov $0x1;
	v4 =	vor.u32 $0x10, v0;
	v5 =	vadd.s32 $0x1, v2;
	s8 =	sadd.s32 s8, s30;
	s9 =	sadd.s32 s9, s30;
	s7 =	ssub.s32 s29, s13  }
0x15: {  	v6 =	vadd.s32 $0x2, v2;
	v7 =	vadd.s32 $0x430, v2;
	v8 =	vadd.s32 $0x431, v2;
	[dreg:$0x9] =	wrdreg s0;
	s13 =	smax.u32 s14, $0x1;
	s15 =	sshll.u32 s7, $0xC  }
0x16: {  	v9 =	vadd.s32 $0x432, v2;
	v10 =	vadd.s32 $0x860, v2;
	s14 =	simm.s32 $0x2;
	s31 =	sshrl.u32 s15, $0x3;
	v1 =	vmov s15;
	s15 =	simm.s32 $0x100  }
0x17: {  	v11 =	vadd.s32 $0x861, v2;
	v12 =	vadd.s32 $0x862, v2;
	v13 =	vadd.s32 $0xC90, v2;
	s10 =	sadd.s32 s10, s31;
	s11 =	sadd.s32 s11, s31;
	s12 =	sadd.s32 s12, s31  }
.LBB2_1:
0x18: {  	s0 =	rddreg [dreg:$0x9]  }
0x19: {  	[tilespmem:s3], [sflag:$0x2] =	stream.linear.gather [hbm4b:s0+s3], $0x100, $0x38;
	[tilespmem:$0x9520] =	vst v63  }
0x1a: {  	_ =	swait.ge [sflag:s14], $0x100  }
0x1b: {  	[sflag:s14] =	ssyncset.done $0x0  }
0x1c: {  	[sflag:s14] =	ssyncadd.s32 $0xFFFFFF00  }
0x1d: {  	[tilespmem:s15], [sflag:$0x2] =	stream.linear.gather [hbm4b:s8+s3], $0x100, $0x38;
	[tilespmem:$0x9520] =	vst v63  }
0x1e: {  	_ =	swait.ge [sflag:s14], $0x100  }
0x1f: {  	[sflag:s14] =	ssyncset.done $0x0  }
0x20: {  	[sflag:s14] =	ssyncadd.s32 $0xFFFFFF00  }
0x21: {  	[tilespmem:s16], [sflag:$0x2] =	stream.linear.gather [hbm4b:s9+s3], $0x100, $0x38;
	[tilespmem:$0x9520] =	vst v63  }
0x22: {  	_ =	swait.ge [sflag:s14], $0x100  }
0x23: {  	[sflag:s14] =	ssyncset.done $0x0  }
0x24: {  	[sflag:s14] =	ssyncadd.s32 $0xFFFFFF00  }
0x25: {  	[tilespmem:s17], [sflag:$0x2] =	stream.linear.gather [hbm4b:s10+s3], $0x1000, $0x38;
	[tilespmem:$0x9520] =	vst v63  }
0x26: {  	_ =	swait.ge [sflag:s14], $0x1000  }
0x27: {  	[sflag:s14] =	ssyncset.done $0x0  }
0x28: {  	[sflag:s14] =	ssyncadd.s32 $0xFFFFF000  }
0x29: {  	[tilespmem:s18], [sflag:$0x2] =	stream.linear.gather [hbm4b:s11+s3], $0x1000, $0x38;
	[tilespmem:$0x9520] =	vst v63  }
0x2a: {  	_ =	swait.ge [sflag:s14], $0x1000  }
0x2b: {  	[sflag:s14] =	ssyncset.done $0x0  }
0x2c: {  	[sflag:s14] =	ssyncadd.s32 $0xFFFFF000  }
0x2d: {  	[tilespmem:s19], [sflag:$0x2] =	stream.linear.gather [hbm4b:s12+s3], $0x1000, $0x38;
	[tilespmem:$0x9520] =	vst v63  }
0x2e: {  	_ =	swait.ge [sflag:s14], $0x1000  }
0x2f: {  	[sflag:s14] =	ssyncset.done $0x0  }
0x30: {  	s25 =	simm.s32 $0x0;
	[sflag:s14] =	ssyncadd.s32 $0xFFFFF000  }
.LBB2_2:
0x31: {  	v16 =	vmov s25;
	_ =	sdelay $0x3  }
0x32: {  	s30 =	simm.s32 $0x0  }
0x33: {  	v14 =	vld.idx.msk [tilespmem:v16+s30+$0x0], $0xffff  }
0x34: {  	s26 =	simm.s32 $0x70;
	v15 =	vld.idx.msk [tilespmem:v16+s15+$0x0], $0xffff  }
0x35: {  	v17 =	vimm.s32 $0x0;
	s28 =	simm.s32 $0x2340;
	s29 =	simm.s32 $0x1340;
	s31 =	simm.s32 $0x340;
	v16 =	vld.idx.msk [tilespmem:v16+s16+$0x0], $0xffff  }
.LBB2_3:
0x36: {  	v18 =	vld [tilespmem:s31+$0xFFFFFFC0]  }
0x37: {  	v19 =	vld [tilespmem:s29+$0xFFFFFFC0];
	_ =	sdelay $0x1  }
0x38: {  	v20 =	vld [tilespmem:s28+$0xFFFFFFC0];
	_ =	sdelay $0x2  }
0x39: {  	v18 =	vsub.f32 v18, v14;
	v19 =	vsub.f32 v19, v15;
	_ =	sdelay $0x1  }
0x3a: {  	v20 =	vsub.f32 v20, v16;
	v18 =	vmul.f32 v18, v18;
	v19 =	vmul.f32 v19, v19;
	_ =	sdelay $0x1  }
0x3b: {  	v18 =	vadd.f32 v19, v18;
	v19 =	vmul.f32 v20, v20;
	_ =	sdelay $0x1  }
0x3c: {  	v18 =	vadd.f32 v19, v18;
	_ =	sdelay $0x1  }
0x3d: {  	vm1 =	vlt.f32 v18, $3.999999910e-02  }
0x3e: {  	v18 =	vsel vm1, $0x1, v3  }
0x3f: {  	(xrf0) =	vadd.scan.msk.s32 $0xffff, v18;
	_ =	sdelay $0x5  }
0x40: {  	v18, _, _ =	vpop (xrf0)  }
0x41: {  	v18 =	vadd.s32 v18, v17  }
0x42: {  	v18 =	vadd.s32 $0xFFFFFFFF, v18;
	_ =	sdelay $0x2  }
0x43: {  	s0 =	sadd.s32 $0xFFFFFF90, s26  }
0x44: {  	v19 =	vor.u32 s0, v0  }
0x45: {  	[tilespmem:v18+s20+$0x0] =	vst.idx.msk vm1, v19  }
0x46: {  	v18 =	vld [tilespmem:s31+$0xFFFFFFD0]  }
0x47: {  	v19 =	vld [tilespmem:s29+$0xFFFFFFD0];
	_ =	sdelay $0x1  }
0x48: {  	v55 =	vld [tilespmem:s28+$0xFFFFFFD0];
	_ =	sdelay $0x2  }
0x49: {  	v18 =	vsub.f32 v18, v14;
	v19 =	vsub.f32 v19, v15;
	_ =	sdelay $0x1  }
0x4a: {  	v20 =	vsub.f32 v55, v16;
	v18 =	vmul.f32 v18, v18;
	v19 =	vmul.f32 v19, v19;
	_ =	sdelay $0x1  }
0x4b: {  	v18 =	vadd.f32 v19, v18;
	v19 =	vmul.f32 v20, v20;
	_ =	sdelay $0x1  }
0x4c: {  	v18 =	vadd.f32 v19, v18;
	_ =	sdelay $0x1  }
0x4d: {  	vm2 =	vlt.f32 v18, $3.999999910e-02  }
0x4e: {  	v18 =	vsel vm2, $0x1, v3  }
0x4f: {  	(xrf0) =	vadd.scan.msk.s32 $0xffff, v18;
	_ =	sdelay $0x1  }
0x50: {  	v18 =	vmpcnt.ones.xlane vm1;
	_ =	sdelay $0x3  }
0x51: {  	v17 =	vadd.s32 v17, v18;
	v18, _, _ =	vpop (xrf0)  }
0x52: {  	v18 =	vadd.s32 v18, v17  }
0x53: {  	v18 =	vadd.s32 $0xFFFFFFFF, v18;
	_ =	sdelay $0x2  }
0x54: {  	s7 =	sadd.s32 $0xFFFFFFA0, s26  }
0x55: {  	v19 =	vor.u32 s7, v0  }
0x56: {  	[tilespmem:v18+s20+$0x0] =	vst.idx.msk vm2, v19  }
0x57: {  	v18 =	vld [tilespmem:s31+$0xFFFFFFE0]  }
0x58: {  	v19 =	vld [tilespmem:s29+$0xFFFFFFE0];
	_ =	sdelay $0x1  }
0x59: {  	v56 =	vld [tilespmem:s28+$0xFFFFFFE0];
	_ =	sdelay $0x2  }
0x5a: {  	v18 =	vsub.f32 v18, v14;
	v19 =	vsub.f32 v19, v15;
	_ =	sdelay $0x1  }
0x5b: {  	v20 =	vsub.f32 v56, v16;
	v18 =	vmul.f32 v18, v18;
	v19 =	vmul.f32 v19, v19;
	_ =	sdelay $0x1  }
0x5c: {  	v18 =	vadd.f32 v19, v18;
	v19 =	vmul.f32 v20, v20;
	_ =	sdelay $0x1  }
0x5d: {  	v18 =	vadd.f32 v19, v18;
	_ =	sdelay $0x1  }
0x5e: {  	vm1 =	vlt.f32 v18, $3.999999910e-02  }
0x5f: {  	v18 =	vsel vm1, $0x1, v3  }
0x60: {  	(xrf0) =	vadd.scan.msk.s32 $0xffff, v18;
	_ =	sdelay $0x1  }
0x61: {  	v18 =	vmpcnt.ones.xlane vm2;
	_ =	sdelay $0x3  }
0x62: {  	v17 =	vadd.s32 v17, v18;
	v18, _, _ =	vpop (xrf0)  }
0x63: {  	v18 =	vadd.s32 v18, v17  }
0x64: {  	v18 =	vadd.s32 $0xFFFFFFFF, v18;
	_ =	sdelay $0x2  }
0x65: {  	s2 =	sadd.s32 $0xFFFFFFB0, s26  }
0x66: {  	v19 =	vor.u32 s2, v0  }
0x67: {  	[tilespmem:v18+s20+$0x0] =	vst.idx.msk vm1, v19  }
0x68: {  	v18 =	vld [tilespmem:s31+$0xFFFFFFF0]  }
0x69: {  	v19 =	vld [tilespmem:s29+$0xFFFFFFF0];
	_ =	sdelay $0x1  }
0x6a: {  	v57 =	vld [tilespmem:s28+$0xFFFFFFF0];
	_ =	sdelay $0x2  }
0x6b: {  	v18 =	vsub.f32 v18, v14;
	v19 =	vsub.f32 v19, v15;
	_ =	sdelay $0x1  }
0x6c: {  	v20 =	vsub.f32 v57, v16;
	v18 =	vmul.f32 v18, v18;
	v19 =	vmul.f32 v19, v19;
	_ =	sdelay $0x1  }
0x6d: {  	v18 =	vadd.f32 v19, v18;
	v19 =	vmul.f32 v20, v20;
	_ =	sdelay $0x1  }
0x6e: {  	v18 =	vadd.f32 v19, v18;
	_ =	sdelay $0x1  }
0x6f: {  	vm2 =	vlt.f32 v18, $3.999999910e-02  }
0x70: {  	v18 =	vsel vm2, $0x1, v3  }
0x71: {  	(xrf0) =	vadd.scan.msk.s32 $0xffff, v18;
	_ =	sdelay $0x1  }
0x72: {  	v18 =	vmpcnt.ones.xlane vm1;
	_ =	sdelay $0x3  }
0x73: {  	v17 =	vadd.s32 v17, v18;
	v18, _, _ =	vpop (xrf0)  }
0x74: {  	v18 =	vadd.s32 v18, v17  }
0x75: {  	v18 =	vadd.s32 $0xFFFFFFFF, v18;
	_ =	sdelay $0x2  }
0x76: {  	s7 =	sadd.s32 $0xFFFFFFC0, s26  }
0x77: {  	v19 =	vor.u32 s7, v0  }
0x78: {  	[tilespmem:v18+s20+$0x0] =	vst.idx.msk vm2, v19  }
0x79: {  	v18 =	vld [tilespmem:s31+$0x0]  }
0x7a: {  	v19 =	vld [tilespmem:s29+$0x0];
	_ =	sdelay $0x1  }
0x7b: {  	v58 =	vld [tilespmem:s28+$0x0];
	_ =	sdelay $0x2  }
0x7c: {  	v18 =	vsub.f32 v18, v14;
	v19 =	vsub.f32 v19, v15;
	_ =	sdelay $0x1  }
0x7d: {  	v20 =	vsub.f32 v58, v16;
	v18 =	vmul.f32 v18, v18;
	v19 =	vmul.f32 v19, v19;
	_ =	sdelay $0x1  }
0x7e: {  	v18 =	vadd.f32 v19, v18;
	v19 =	vmul.f32 v20, v20;
	_ =	sdelay $0x1  }
0x7f: {  	v18 =	vadd.f32 v19, v18;
	_ =	sdelay $0x1  }
0x80: {  	vm1 =	vlt.f32 v18, $3.999999910e-02  }
0x81: {  	v18 =	vsel vm1, $0x1, v3  }
0x82: {  	(xrf0) =	vadd.scan.msk.s32 $0xffff, v18;
	_ =	sdelay $0x1  }
0x83: {  	v18 =	vmpcnt.ones.xlane vm2;
	_ =	sdelay $0x3  }
0x84: {  	v17 =	vadd.s32 v17, v18;
	v18, _, _ =	vpop (xrf0)  }
0x85: {  	v18 =	vadd.s32 v18, v17  }
0x86: {  	v18 =	vadd.s32 $0xFFFFFFFF, v18;
	_ =	sdelay $0x2  }
0x87: {  	s2 =	sadd.s32 $0xFFFFFFD0, s26  }
0x88: {  	v19 =	vor.u32 s2, v0  }
0x89: {  	[tilespmem:v18+s20+$0x0] =	vst.idx.msk vm1, v19  }
0x8a: {  	v18 =	vld [tilespmem:s31+$0x10]  }
0x8b: {  	v19 =	vld [tilespmem:s29+$0x10];
	_ =	sdelay $0x1  }
0x8c: {  	v59 =	vld [tilespmem:s28+$0x10];
	_ =	sdelay $0x2  }
0x8d: {  	v18 =	vsub.f32 v18, v14;
	v19 =	vsub.f32 v19, v15;
	_ =	sdelay $0x1  }
0x8e: {  	v20 =	vsub.f32 v59, v16;
	v18 =	vmul.f32 v18, v18;
	v19 =	vmul.f32 v19, v19;
	_ =	sdelay $0x1  }
0x8f: {  	v18 =	vadd.f32 v19, v18;
	v19 =	vmul.f32 v20, v20;
	_ =	sdelay $0x1  }
0x90: {  	v18 =	vadd.f32 v19, v18;
	_ =	sdelay $0x1  }
0x91: {  	vm2 =	vlt.f32 v18, $3.999999910e-02  }
0x92: {  	v18 =	vsel vm2, $0x1, v3  }
0x93: {  	(xrf0) =	vadd.scan.msk.s32 $0xffff, v18;
	_ =	sdelay $0x1  }
0x94: {  	v18 =	vmpcnt.ones.xlane vm1;
	_ =	sdelay $0x3  }
0x95: {  	v17 =	vadd.s32 v17, v18;
	v18, _, _ =	vpop (xrf0)  }
0x96: {  	v18 =	vadd.s32 v18, v17  }
0x97: {  	v18 =	vadd.s32 $0xFFFFFFFF, v18;
	_ =	sdelay $0x2  }
0x98: {  	s7 =	sadd.s32 $0xFFFFFFE0, s26  }
0x99: {  	v19 =	vor.u32 s7, v0  }
0x9a: {  	[tilespmem:v18+s20+$0x0] =	vst.idx.msk vm2, v19  }
0x9b: {  	v18 =	vld [tilespmem:s31+$0x20]  }
0x9c: {  	v19 =	vld [tilespmem:s29+$0x20];
	_ =	sdelay $0x1  }
0x9d: {  	v60 =	vld [tilespmem:s28+$0x20];
	_ =	sdelay $0x2  }
0x9e: {  	v18 =	vsub.f32 v18, v14;
	v19 =	vsub.f32 v19, v15;
	_ =	sdelay $0x1  }
0x9f: {  	v20 =	vsub.f32 v60, v16;
	v18 =	vmul.f32 v18, v18;
	v19 =	vmul.f32 v19, v19;
	_ =	sdelay $0x1  }
0xa0: {  	v18 =	vadd.f32 v19, v18;
	v19 =	vmul.f32 v20, v20;
	_ =	sdelay $0x1  }
0xa1: {  	v18 =	vadd.f32 v19, v18;
	_ =	sdelay $0x1  }
0xa2: {  	vm1 =	vlt.f32 v18, $3.999999910e-02  }
0xa3: {  	v18 =	vsel vm1, $0x1, v3  }
0xa4: {  	(xrf0) =	vadd.scan.msk.s32 $0xffff, v18;
	_ =	sdelay $0x1  }
0xa5: {  	v18 =	vmpcnt.ones.xlane vm2;
	_ =	sdelay $0x3  }
0xa6: {  	v17 =	vadd.s32 v17, v18;
	v18, _, _ =	vpop (xrf0)  }
0xa7: {  	v18 =	vadd.s32 v18, v17  }
0xa8: {  	v18 =	vadd.s32 $0xFFFFFFFF, v18;
	_ =	sdelay $0x2  }
0xa9: {  	s2 =	sadd.s32 $0xFFFFFFF0, s26  }
0xaa: {  	v19 =	vor.u32 s2, v0  }
0xab: {  	[tilespmem:v18+s20+$0x0] =	vst.idx.msk vm1, v19  }
0xac: {  	v18 =	vld [tilespmem:s31+$0x30]  }
0xad: {  	v19 =	vld [tilespmem:s29+$0x30];
	_ =	sdelay $0x1  }
0xae: {  	v61 =	vld [tilespmem:s28+$0x30];
	_ =	sdelay $0x2  }
0xaf: {  	v18 =	vsub.f32 v18, v14;
	v19 =	vsub.f32 v19, v15;
	_ =	sdelay $0x1  }
0xb0: {  	v20 =	vsub.f32 v61, v16;
	v18 =	vmul.f32 v18, v18;
	v19 =	vmul.f32 v19, v19;
	_ =	sdelay $0x1  }
0xb1: {  	v18 =	vadd.f32 v19, v18;
	v19 =	vmul.f32 v20, v20;
	_ =	sdelay $0x1  }
0xb2: {  	v18 =	vadd.f32 v19, v18;
	_ =	sdelay $0x1  }
0xb3: {  	v19 =	vmpcnt.ones.xlane vm1;
	vm1 =	vlt.f32 v18, $3.999999910e-02  }
0xb4: {  	v18 =	vmpcnt.ones.xlane vm1  }
0xb5: {  	v19 =	vadd.s32 v17, v19  }
0xb6: {  	v62 =	vsel vm1, $0x1, v3;
	v17 =	vadd.s32 v19, v18  }
0xb7: {  	(xrf0) =	vadd.scan.msk.s32 $0xffff, v62;
	v18 =	vxor.u32 $0x80000000, v17  }
0xb8: {  	(xrf0) =	vmax.scan.msk.u32 $0xffff, v18;
	_ =	sdelay $0x4  }
0xb9: {  	v18, _, _ =	vpop (xrf0)  }
0xba: {  	v63, _, _ =	vpop (xrf0)  }
0xbb: {  	(v2sf) =	vpush v63, $0xF;
	_ =	sdelay $0xe  }
0xbc: {  	s7 =	spop (v2sf)  }
0xbd: {  	p0 =	sgt.u32 s30, $0x1E;
	s0 =	sxor.u32 $0x80000000, s7  }
0xbe: {  	v18 =	vadd.s32 v18, v19;
	p1 =	slt.s32 @!p0 s0, $0x20  }
0xbf: {  	v18 =	vadd.s32 $0xFFFFFFFF, v18;
	p0 =	por p0, !p1  }
.Ltmp0:
0xc0: {  	_ = 	snop;
	(pc) =	sbr.rel @!p0 .LBB2_3-.Ltmp0, $3  }
0xc1: {  	_ =	sdelay $0x1  }
0xc2: {  	s30 =	sadd.s32 $0x1, s30;
	s28 =	sadd.s32 $0x80, s28;
	v19 =	vor.u32 s26, v0  }
0xc3: {  	s29 =	sadd.s32 $0x80, s29;
	s31 =	sadd.s32 $0x80, s31;
	s26 =	sadd.s32 $0x80, s26;
	[tilespmem:v18+s20+$0x0] =	vst.idx.msk vm1, v19  }
0xc4: {  	v14 =	vld [tilespmem:$0x3300];
	_ =	sdelay $0x4  }
0xc5: {  	v15 =	vnsel vm0, $0xFFFFFFFF, v14  }
0xc6: {  	v15 =	vxor.u32 $0x80000000, v15  }
0xc7: {  	(xrf0) =	vmax.scan.msk.u32 $0xffff, v15;
	_ =	sdelay $0x5  }
0xc8: {  	v15 =	vmov s0;
	v16, _, _ =	vpop (xrf0)  }
0xc9: {  	vm1 =	vgt.s32 v15, $0x0;
	v16 =	vxor.u32 $0x80000000, v16  }
0xca: {  	v16 =	vnsel vm1, $0xFFF, v16;
	vm1 =	vgt.s32 v15, v0  }
0xcb: {  	s31 =	sshll.u32 s25, $0x5;
	v14 =	vsel vm1, v14, v16  }
0xcc: {  	s0 =	sand.u32 $0x3FFFFFE0, s31;
	v14 =	vadd.s32 v1, v14  }
0xcd: {  	[tilespmem:s0+$0x33A0] =	vst v14  }
0xce: {  	v14 =	vld [tilespmem:$0x3310]  }
0xcf: {  	s25 =	sadd.s32 $0x1, s25  }
0xd0: {  	p0 =	sne.s32 s25, $0x100  }
.Ltmp1:
0xd1: {  	_ = 	snop;
	(pc) =	sbr.rel @p0 .LBB2_2-.Ltmp1, $4  }
0xd2: {  	vm1 =	vgt.s32 v15, v4  }
0xd3: {  	v14 =	vsel vm1, v14, v16  }
0xd4: {  	v14 =	vadd.s32 v1, v14  }
0xd5: {  	[tilespmem:s0+$0x33B0] =	vst v14  }
0xd6: {  	s25 =	simm.s32 $0x0  }
.LBB2_6:
0xd7: {  	s0 =	sshll.u32 s25, $0x7  }
0xd8: {  	s26 =	sand.u32 $0x3FFFFF80, s0  }
0xd9: {  	s0 =	sadd.s32 $0x33A0, s26  }
0xda: {  	[tilespmem:s22], [sflag:$0x1] =	stream.indirect.gather [hbm4b:s4+s21], $0x40, s0, s21, $0xb8;
	[tilespmem:$0x9520] =	vst v63  }
0xdb: {  	_ =	swait.ge [sflag:s6], $0x2000  }
0xdc: {  	[sflag:s6] =	ssyncset.done $0x0  }
0xdd: {  	s2 =	simm.s32 $0x5420;
	s28 =	simm.s32 $0xCC;
	[sflag:s6] =	ssyncadd.s32 $0xFFFFE000  }
0xde: {  	s29 =	simm.s32 $0x89;
	v15 =	vadd.s32 s28, v0;
	v14 =	vld [tilespmem:s2+$0x40]  }
0xdf: {  	s28 =	simm.s32 $0x46;
	v17 =	vadd.s32 s29, v0;
	v16 =	vld [tilespmem:s2+$0x0]  }
0xe0: {  	s29 =	simm.s32 $0x3;
	v19 =	vadd.s32 s28, v0;
	v18 =	vld [tilespmem:s2+$0xFFFFFFC0]  }
0xe1: {  	v21 =	vadd.s32 s29, v0;
	v20 =	vld [tilespmem:s2+$0xFFFFFF80];
	_ =	sdelay $0x1  }
0xe2: {  	s28 =	simm.s32 $0xDC;
	[tilespmem:v15+s23+$0x0] =	vst.idx.msk $0xffff, v14  }
0xe3: {  	s29 =	simm.s32 $0x99;
	[tilespmem:v17+s23+$0x0] =	vst.idx.msk $0xffff, v16;
	v15 =	vadd.s32 s28, v0;
	v14 =	vld [tilespmem:s2+$0x50]  }
0xe4: {  	[tilespmem:v19+s23+$0x0] =	vst.idx.msk $0xffff, v18;
	s28 =	simm.s32 $0x56;
	v17 =	vadd.s32 s29, v0;
	v16 =	vld [tilespmem:s2+$0x10]  }
0xe5: {  	[tilespmem:v21+s23+$0x0] =	vst.idx.msk $0xffff, v20;
	s29 =	simm.s32 $0x13;
	v18 =	vld [tilespmem:s2+$0xFFFFFFD0];
	v19 =	vadd.s32 s28, v0  }
0xe6: {  	v20 =	vld [tilespmem:s2+$0xFFFFFF90];
	v21 =	vadd.s32 s29, v0;
	s28 =	simm.s32 $0x5520  }
0xe7: {  	s29 =	simm.s32 $0x152;
	v22 =	vld [tilespmem:s28+$0xFFFFFF80]  }
0xe8: {  	v23 =	vld [tilespmem:s28+$0xFFFFFFC0];
	v24 =	vadd.s32 s29, v0;
	s29 =	simm.s32 $0xEC;
	[tilespmem:v15+s23+$0x0] =	vst.idx.msk $0xffff, v14  }
0xe9: {  	s30 =	simm.s32 $0xA9;
	[tilespmem:v17+s23+$0x0] =	vst.idx.msk $0xffff, v16;
	v15 =	vadd.s32 s29, v0;
	v14 =	vld [tilespmem:s2+$0x60]  }
0xea: {  	[tilespmem:v19+s23+$0x0] =	vst.idx.msk $0xffff, v18;
	s29 =	simm.s32 $0x66;
	v17 =	vadd.s32 s30, v0;
	v16 =	vld [tilespmem:s2+$0x20]  }
0xeb: {  	[tilespmem:v21+s23+$0x0] =	vst.idx.msk $0xffff, v20;
	s30 =	simm.s32 $0x23;
	v18 =	vld [tilespmem:s2+$0xFFFFFFE0];
	v19 =	vadd.s32 s29, v0  }
0xec: {  	s29 =	simm.s32 $0x1D8;
	v20 =	vld [tilespmem:s2+$0xFFFFFFA0];
	v21 =	vadd.s32 s30, v0  }
0xed: {  	[tilespmem:v24+s23+$0x0] =	vst.idx.msk $0xffff, v23;
	s30 =	simm.s32 $0x195;
	v23 =	vld [tilespmem:s28+$0x40];
	v24 =	vadd.s32 s29, v0  }
0xee: {  	v25 =	vld [tilespmem:s28+$0x0];
	s29 =	simm.s32 $0x10F;
	v26 =	vadd.s32 s30, v0;
	[tilespmem:v15+s23+$0x0] =	vst.idx.msk $0xffff, v14  }
0xef: {  	s30 =	simm.s32 $0xFC;
	v27 =	vadd.s32 s29, v0;
	[tilespmem:v17+s23+$0x0] =	vst.idx.msk $0xffff, v16;
	v17 =	vld [tilespmem:s2+$0x70]  }
0xf0: {  	s29 =	simm.s32 $0x76;
	v28 =	vadd.s32 s30, v0;
	[tilespmem:v19+s23+$0x0] =	vst.idx.msk $0xffff, v18;
	v14 =	vld [tilespmem:s2+$0x30]  }
0xf1: {  	s7 =	simm.s32 $0x33;
	v30 =	vadd.s32 s29, v0;
	[tilespmem:v21+s23+$0x0] =	vst.idx.msk $0xffff, v20;
	v29 =	vld [tilespmem:s2+$0xFFFFFFF0]  }
0xf2: {  	s29 =	simm.s32 $0x1E8;
	v16 =	vadd.s32 s7, v0;
	[tilespmem:v24+s23+$0x0] =	vst.idx.msk $0xffff, v23;
	v15 =	vld [tilespmem:s2+$0xFFFFFFB0]  }
0xf3: {  	v21 =	vadd.s32 s29, v0;
	[tilespmem:v26+s23+$0x0] =	vst.idx.msk $0xffff, v25;
	s2 =	simm.s32 $0x1A5;
	v19 =	vld [tilespmem:s28+$0x50]  }
0xf4: {  	s30 =	simm.s32 $0x162;
	[tilespmem:v27+s23+$0x0] =	vst.idx.msk $0xffff, v22;
	v18 =	vld [tilespmem:s28+$0x10];
	v20 =	vadd.s32 s2, v0  }
0xf5: {  	s31 =	simm.s32 $0x314;
	s7 =	simm.s32 $0x11F;
	v23 =	vadd.s32 s30, v0;
	v22 =	vld [tilespmem:s28+$0xFFFFFFD0];
	s2 =	simm.s32 $0xB9;
	[tilespmem:v28+s23+$0x0] =	vst.idx.msk $0xffff, v17  }
0xf6: {  	s0 =	simm.s32 $0x5620;
	s29 =	simm.s32 $0x208;
	s30 =	simm.s32 $0x4;
	v25 =	vadd.s32 s7, v0;
	v24 =	vld [tilespmem:s28+$0xFFFFFF90];
	[tilespmem:v30+s23+$0x0] =	vst.idx.msk $0xffff, v29;
	v17 =	vadd.s32 s2, v0  }
.LBB2_7:
0xf7: {  	s2 =	sadd.s32 $0xFFFFFF07, s31;
	v26 =	vld [tilespmem:s0+$0xFFFFFF80];
	s7 =	sadd.s32 $0xFFFFFF4A, s31;
	s30 =	sadd.s32 $0x4, s30;
	[tilespmem:v16+s23+$0x0] =	vst.idx.msk $0xffff, v15  }
0xf8: {  	v27 =	vadd.s32 s2, v0;
	v15 =	vld [tilespmem:s0+$0xFFFFFFC0];
	v16 =	vadd.s32 s7, v0;
	p0 =	slt.u32 s30, $0x7C;
	[tilespmem:v21+s23+$0x0] =	vst.idx.msk $0xffff, v19;
	s2 =	sadd.s32 $0xFFFFFFF0, s29  }
0xf9: {  	s7 =	sadd.s32 $0xFFFFFFAD, s29;
	[tilespmem:v20+s23+$0x0] =	vst.idx.msk $0xffff, v18;
	v18 =	vld [tilespmem:s28+$0x60];
	v19 =	vadd.s32 s2, v0  }
0xfa: {  	s2 =	sadd.s32 $0xFFFFFF6A, s29;
	v21 =	vadd.s32 s7, v0;
	[tilespmem:v23+s23+$0x0] =	vst.idx.msk $0xffff, v22;
	v20 =	vld [tilespmem:s28+$0x20]  }
0xfb: {  	s7 =	sadd.s32 $0xFFFFFF27, s29;
	v23 =	vadd.s32 s2, v0;
	[tilespmem:v25+s23+$0x0] =	vst.idx.msk $0xffff, v24;
	v22 =	vld [tilespmem:s28+$0xFFFFFFE0]  }
0xfc: {  	s2 =	sadd.s32 $0xFFFFFFD0, s31;
	v25 =	vadd.s32 s7, v0;
	v24 =	vld [tilespmem:s28+$0xFFFFFFA0];
	[tilespmem:v17+s23+$0x0] =	vst.idx.msk $0xffff, v14  }
0xfd: {  	s7 =	sadd.s32 $0xFFFFFF8D, s31;
	[tilespmem:v16+s23+$0x0] =	vst.idx.msk $0xffff, v15;
	v15 =	vld [tilespmem:s0+$0x40];
	v16 =	vadd.s32 s2, v0  }
0xfe: {  	v28 =	vadd.s32 s7, v0;
	v17 =	vld [tilespmem:s0+$0x0];
	[tilespmem:v19+s23+$0x0] =	vst.idx.msk $0xffff, v18  }
0xff: {  	[tilespmem:v21+s23+$0x0] =	vst.idx.msk $0xffff, v20;
	v29 =	vld [tilespmem:s28+$0x70]  }
0x100: {  	v30 =	vadd.s32 s29, v0;
	s2 =	sadd.s32 $0xFFFFFF7A, s29;
	[tilespmem:v23+s23+$0x0] =	vst.idx.msk $0xffff, v22;
	v14 =	vld [tilespmem:s28+$0x30]  }
0x101: {  	s7 =	sadd.s32 $0xFFFFFF37, s29;
	v32 =	vadd.s32 s2, v0;
	[tilespmem:v25+s23+$0x0] =	vst.idx.msk $0xffff, v24;
	v31 =	vld [tilespmem:s28+$0xFFFFFFF0]  }
.Ltmp2:
0x102: {  	s2 =	sadd.s32 $0xFFFFFFE0, s31;
	[tilespmem:v16+s23+$0x0] =	vst.idx.msk $0xffff, v15;
	v15 =	vld [tilespmem:s28+$0xFFFFFFB0];
	v16 =	vadd.s32 s7, v0;
	s28 =	smov.u32 s0;
	(pc) =	sbr.rel @p0 .LBB2_7-.Ltmp2, $4  }
0x103: {  	v21 =	vadd.s32 s2, v0;
	s7 =	sadd.s32 $0xFFFFFF9D, s31;
	[tilespmem:v28+s23+$0x0] =	vst.idx.msk $0xffff, v17;
	v19 =	vld [tilespmem:s0+$0x50]  }
0x104: {  	s2 =	sadd.s32 $0xFFFFFF5A, s31;
	v20 =	vadd.s32 s7, v0;
	[tilespmem:v27+s23+$0x0] =	vst.idx.msk $0xffff, v26;
	v18 =	vld [tilespmem:s0+$0x10]  }
0x105: {  	v23 =	vadd.s32 s2, v0;
	s2 =	sadd.s32 $0xFFFFFFBD, s29;
	s29 =	smov.u32 s31;
	s7 =	sadd.s32 $0xFFFFFF17, s31;
	v22 =	vld [tilespmem:s0+$0xFFFFFFD0];
	[tilespmem:v30+s23+$0x0] =	vst.idx.msk $0xffff, v29  }
0x106: {  	s31 =	sadd.s32 $0x10C, s31;
	v17 =	vadd.s32 s2, v0;
	v25 =	vadd.s32 s7, v0;
	s0 =	sadd.s32 $0x100, s0;
	v24 =	vld [tilespmem:s28+$0xFFFFFF90];
	[tilespmem:v32+s23+$0x0] =	vst.idx.msk $0xffff, v31  }
0x107: {  	_ =	sdelay $0x3  }
0x108: {  	s0 =	sadd.s32 $0xFFFFFFF0, s29;
	[tilespmem:v21+s23+$0x0] =	vst.idx.msk $0xffff, v19  }
0x109: {  	s31 =	sadd.s32 $0xFFFFFFAD, s29;
	v49 =	vadd.s32 s0, v0;
	v19 =	vld [tilespmem:s28+$0x60];
	[tilespmem:v20+s23+$0x0] =	vst.idx.msk $0xffff, v18  }
0x10a: {  	s30 =	sadd.s32 $0xFFFFFF6A, s29;
	v54 =	vadd.s32 s31, v0;
	[tilespmem:v23+s23+$0x0] =	vst.idx.msk $0xffff, v22;
	v53 =	vld [tilespmem:s28+$0x20]  }
0x10b: {  	s2 =	sadd.s32 $0xFFFFFF27, s29;
	v50 =	vadd.s32 s30, v0;
	[tilespmem:v25+s23+$0x0] =	vst.idx.msk $0xffff, v24;
	v22 =	vld [tilespmem:s28+$0xFFFFFFE0]  }
0x10c: {  	v52 =	vadd.s32 s2, v0;
	v51 =	vld [tilespmem:s28+$0xFFFFFFA0]  }
0x10d: {  	[tilespmem:v16+s23+$0x0] =	vst.idx.msk $0xffff, v15  }
0x10e: {  	[tilespmem:v49+s23+$0x0] =	vst.idx.msk $0xffff, v19  }
0x10f: {  	v55 =	vadd.s32 s29, v0;
	s31 =	sadd.s32 $0xFFFFFFBD, s29;
	v19 =	vld [tilespmem:s28+$0x70];
	[tilespmem:v54+s23+$0x0] =	vst.idx.msk $0xffff, v53  }
0x110: {  	s7 =	sadd.s32 $0xFFFFFF7A, s29;
	v60 =	vadd.s32 s31, v0;
	[tilespmem:v50+s23+$0x0] =	vst.idx.msk $0xffff, v22;
	v15 =	vld [tilespmem:s28+$0x30]  }
0x111: {  	s30 =	sadd.s32 $0xFFFFFF37, s29;
	v57 =	vadd.s32 s7, v0;
	[tilespmem:v52+s23+$0x0] =	vst.idx.msk $0xffff, v51;
	v56 =	vld [tilespmem:s28+$0xFFFFFFF0]  }
0x112: {  	v59 =	vadd.s32 s30, v0;
	v58 =	vld [tilespmem:s28+$0xFFFFFFB0]  }
0x113: {  	[tilespmem:v17+s23+$0x0] =	vst.idx.msk $0xffff, v14  }
0x114: {  	[tilespmem:v55+s23+$0x0] =	vst.idx.msk $0xffff, v19  }
0x115: {  	[tilespmem:v60+s23+$0x0] =	vst.idx.msk $0xffff, v15  }
0x116: {  	[tilespmem:v57+s23+$0x0] =	vst.idx.msk $0xffff, v56  }
0x117: {  	[tilespmem:v59+s23+$0x0] =	vst.idx.msk $0xffff, v58  }
0x118: {  	v14 =	vld [tilespmem:s26+$0x33A0];
	_ =	sdelay $0x4  }
0x119: {  	v15 =	vsub.s32 v14, v1  }
0x11a: {  	v14 =	vand.u32 $0x7, v14;
	v15 =	vand.u32 $0xFFFFFFF8, v15  }
0x11b: {  	s2 =	sshll.u32 s25, $0x2;
	v14 =	vor.u32 v14, v15  }
0x11c: {  	v61 =	vmov s2  }
0x11d: {  	v15 =	vbroadcast v61, $0x0;
	_ =	sdelay $0x2  }
0x11e: {  	v62 =	vld.idx.msk [tilespmem:v14+s17+$0x0], $0xffff  }
0x11f: {  	v18 =	vld.idx.msk [tilespmem:v14+s18+$0x0], $0xffff  }
0x120: {  	v14 =	vld.idx.msk [tilespmem:v14+s19+$0x0], $0xffff  }
0x121: {  	v17 =	vld.idx.msk [tilespmem:v15+s3+$0x0], $0xffff  }
0x122: {  	v19 =	vld.idx.msk [tilespmem:v15+s15+$0x0], $0xffff  }
0x123: {  	v20 =	vld.idx.msk [tilespmem:v15+s16+$0x0], $0xffff;
	_ =	sdelay $0x2  }
0x124: {  	v16 =	vsub.f32 v62, v17  }
0x125: {  	v63 =	vsub.f32 v18, v19  }
0x126: {  	v14 =	vsub.f32 v14, v20;
	[tilespmem:v2+s23+$0x0] =	vst.idx.msk $0xffff, v16  }
0x127: {  	[tilespmem:v5+s23+$0x0] =	vst.idx.msk $0xffff, v63  }
0x128: {  	[tilespmem:v6+s23+$0x0] =	vst.idx.msk $0xffff, v14  }
0x129: {  	v14 =	vld [tilespmem:s26+$0x33B0];
	_ =	sdelay $0x4  }
0x12a: {  	v20 =	vsub.s32 v14, v1  }
0x12b: {  	v14 =	vand.u32 $0x7, v14;
	v16 =	vand.u32 $0xFFFFFFF8, v20  }
0x12c: {  	v14 =	vor.u32 v14, v16;
	_ =	sdelay $0x1  }
0x12d: {  	v17 =	vld.idx.msk [tilespmem:v15+s3+$0x0], $0xffff  }
0x12e: {  	v22 =	vld.idx.msk [tilespmem:v15+s15+$0x0], $0xffff  }
0x12f: {  	v15 =	vld.idx.msk [tilespmem:v15+s16+$0x0], $0xffff  }
0x130: {  	v16 =	vld.idx.msk [tilespmem:v14+s17+$0x0], $0xffff  }
0x131: {  	v21 =	vld.idx.msk [tilespmem:v14+s18+$0x0], $0xffff  }
0x132: {  	v14 =	vld.idx.msk [tilespmem:v14+s19+$0x0], $0xffff;
	_ =	sdelay $0x2  }
0x133: {  	v16 =	vsub.f32 v16, v17  }
0x134: {  	v23 =	vsub.f32 v21, v22  }
0x135: {  	v14 =	vsub.f32 v14, v15;
	[tilespmem:v7+s23+$0x0] =	vst.idx.msk $0xffff, v16  }
0x136: {  	[tilespmem:v8+s23+$0x0] =	vst.idx.msk $0xffff, v23  }
0x137: {  	[tilespmem:v9+s23+$0x0] =	vst.idx.msk $0xffff, v14  }
0x138: {  	v14 =	vld [tilespmem:s26+$0x33C0];
	_ =	sdelay $0x4  }
0x139: {  	v15 =	vsub.s32 v14, v1  }
0x13a: {  	v14 =	vand.u32 $0x7, v14;
	v15 =	vand.u32 $0xFFFFFFF8, v15  }
0x13b: {  	s7 =	sor.u32 $0x1, s2;
	v14 =	vor.u32 v14, v15  }
0x13c: {  	v24 =	vmov s7  }
0x13d: {  	v15 =	vbroadcast v24, $0x0;
	_ =	sdelay $0x2  }
0x13e: {  	v25 =	vld.idx.msk [tilespmem:v14+s17+$0x0], $0xffff  }
0x13f: {  	v26 =	vld.idx.msk [tilespmem:v14+s18+$0x0], $0xffff  }
0x140: {  	v14 =	vld.idx.msk [tilespmem:v14+s19+$0x0], $0xffff  }
0x141: {  	v17 =	vld.idx.msk [tilespmem:v15+s3+$0x0], $0xffff  }
0x142: {  	v27 =	vld.idx.msk [tilespmem:v15+s15+$0x0], $0xffff  }
0x143: {  	v28 =	vld.idx.msk [tilespmem:v15+s16+$0x0], $0xffff;
	_ =	sdelay $0x2  }
0x144: {  	v16 =	vsub.f32 v25, v17  }
0x145: {  	v29 =	vsub.f32 v26, v27  }
0x146: {  	v14 =	vsub.f32 v14, v28;
	[tilespmem:v10+s23+$0x0] =	vst.idx.msk $0xffff, v16  }
0x147: {  	[tilespmem:v11+s23+$0x0] =	vst.idx.msk $0xffff, v29  }
0x148: {  	[tilespmem:v12+s23+$0x0] =	vst.idx.msk $0xffff, v14  }
0x149: {  	v14 =	vld [tilespmem:s26+$0x33D0];
	_ =	sdelay $0x4  }
0x14a: {  	v30 =	vsub.s32 v14, v1  }
0x14b: {  	v14 =	vand.u32 $0x7, v14;
	v16 =	vand.u32 $0xFFFFFFF8, v30  }
0x14c: {  	v14 =	vor.u32 v14, v16;
	_ =	sdelay $0x1  }
0x14d: {  	v17 =	vld.idx.msk [tilespmem:v15+s3+$0x0], $0xffff  }
0x14e: {  	v32 =	vld.idx.msk [tilespmem:v15+s15+$0x0], $0xffff  }
0x14f: {  	v15 =	vld.idx.msk [tilespmem:v15+s16+$0x0], $0xffff  }
0x150: {  	v16 =	vld.idx.msk [tilespmem:v14+s17+$0x0], $0xffff  }
0x151: {  	v31 =	vld.idx.msk [tilespmem:v14+s18+$0x0], $0xffff  }
0x152: {  	v14 =	vld.idx.msk [tilespmem:v14+s19+$0x0], $0xffff  }
0x153: {  	v33 =	vadd.s32 $0xC91, v2  }
0x154: {  	v34 =	vadd.s32 $0xC92, v2  }
0x155: {  	v16 =	vsub.f32 v16, v17  }
0x156: {  	v35 =	vsub.f32 v31, v32  }
0x157: {  	v14 =	vsub.f32 v14, v15;
	[tilespmem:v13+s23+$0x0] =	vst.idx.msk $0xffff, v16  }
0x158: {  	[tilespmem:v33+s23+$0x0] =	vst.idx.msk $0xffff, v35  }
0x159: {  	[tilespmem:v34+s23+$0x0] =	vst.idx.msk $0xffff, v14  }
0x15a: {  	v14 =	vld [tilespmem:s26+$0x33E0];
	_ =	sdelay $0x4  }
0x15b: {  	v15 =	vsub.s32 v14, v1  }
0x15c: {  	v14 =	vand.u32 $0x7, v14;
	v15 =	vand.u32 $0xFFFFFFF8, v15  }
0x15d: {  	s29 =	sor.u32 $0x2, s2;
	v14 =	vor.u32 v14, v15  }
0x15e: {  	v36 =	vmov s29  }
0x15f: {  	v15 =	vbroadcast v36, $0x0;
	_ =	sdelay $0x2  }
0x160: {  	v37 =	vld.idx.msk [tilespmem:v14+s17+$0x0], $0xffff  }
0x161: {  	v38 =	vld.idx.msk [tilespmem:v14+s18+$0x0], $0xffff  }
0x162: {  	v14 =	vld.idx.msk [tilespmem:v14+s19+$0x0], $0xffff  }
0x163: {  	v17 =	vld.idx.msk [tilespmem:v15+s3+$0x0], $0xffff  }
0x164: {  	v39 =	vld.idx.msk [tilespmem:v15+s15+$0x0], $0xffff  }
0x165: {  	v40 =	vadd.s32 $0x10C0, v2;
	v20 =	vld.idx.msk [tilespmem:v15+s16+$0x0], $0xffff  }
0x166: {  	v41 =	vadd.s32 $0x10C1, v2  }
0x167: {  	v42 =	vadd.s32 $0x10C2, v2  }
0x168: {  	v16 =	vsub.f32 v37, v17  }
0x169: {  	v43 =	vsub.f32 v38, v39  }
0x16a: {  	v14 =	vsub.f32 v14, v20;
	[tilespmem:v40+s23+$0x0] =	vst.idx.msk $0xffff, v16  }
0x16b: {  	[tilespmem:v41+s23+$0x0] =	vst.idx.msk $0xffff, v43  }
0x16c: {  	[tilespmem:v42+s23+$0x0] =	vst.idx.msk $0xffff, v14  }
0x16d: {  	v14 =	vld [tilespmem:s26+$0x33F0];
	_ =	sdelay $0x4  }
0x16e: {  	v44 =	vsub.s32 v14, v1  }
0x16f: {  	v14 =	vand.u32 $0x7, v14;
	v16 =	vand.u32 $0xFFFFFFF8, v44  }
0x170: {  	v14 =	vor.u32 v14, v16;
	_ =	sdelay $0x1  }
0x171: {  	v17 =	vld.idx.msk [tilespmem:v15+s3+$0x0], $0xffff  }
0x172: {  	v46 =	vld.idx.msk [tilespmem:v15+s15+$0x0], $0xffff  }
0x173: {  	v15 =	vld.idx.msk [tilespmem:v15+s16+$0x0], $0xffff  }
0x174: {  	v16 =	vld.idx.msk [tilespmem:v14+s17+$0x0], $0xffff  }
0x175: {  	v45 =	vld.idx.msk [tilespmem:v14+s18+$0x0], $0xffff  }
0x176: {  	v47 =	vadd.s32 $0x14F0, v2;
	v14 =	vld.idx.msk [tilespmem:v14+s19+$0x0], $0xffff  }
0x177: {  	v48 =	vadd.s32 $0x14F1, v2  }
0x178: {  	v49 =	vadd.s32 $0x14F2, v2  }
0x179: {  	v16 =	vsub.f32 v16, v17  }
0x17a: {  	v50 =	vsub.f32 v45, v46  }
0x17b: {  	v14 =	vsub.f32 v14, v15;
	[tilespmem:v47+s23+$0x0] =	vst.idx.msk $0xffff, v16  }
0x17c: {  	[tilespmem:v48+s23+$0x0] =	vst.idx.msk $0xffff, v50  }
0x17d: {  	[tilespmem:v49+s23+$0x0] =	vst.idx.msk $0xffff, v14  }
0x17e: {  	v14 =	vld [tilespmem:s26+$0x3400];
	_ =	sdelay $0x4  }
0x17f: {  	v15 =	vsub.s32 v14, v1  }
0x180: {  	v14 =	vand.u32 $0x7, v14;
	v15 =	vand.u32 $0xFFFFFFF8, v15  }
0x181: {  	s30 =	sshllo.u32 s25, $0x2;
	v14 =	vor.u32 v14, v15  }
0x182: {  	v15 =	vmov s30;
	_ =	sdelay $0x3  }
0x183: {  	v16 =	vld.idx.msk [tilespmem:v14+s17+$0x0], $0xffff  }
0x184: {  	v17 =	vld.idx.msk [tilespmem:v15+s3+$0x0], $0xffff  }
0x185: {  	v51 =	vld.idx.msk [tilespmem:v14+s18+$0x0], $0xffff  }
0x186: {  	v52 =	vld.idx.msk [tilespmem:v15+s15+$0x0], $0xffff  }
0x187: {  	v14 =	vld.idx.msk [tilespmem:v14+s19+$0x0], $0xffff  }
0x188: {  	v53 =	vadd.s32 $0x1920, v2;
	v20 =	vld.idx.msk [tilespmem:v15+s16+$0x0], $0xffff  }
0x189: {  	v54 =	vadd.s32 $0x1921, v2  }
0x18a: {  	v55 =	vadd.s32 $0x1922, v2  }
0x18b: {  	v16 =	vsub.f32 v16, v17  }
0x18c: {  	v56 =	vsub.f32 v51, v52  }
0x18d: {  	v14 =	vsub.f32 v14, v20;
	[tilespmem:v53+s23+$0x0] =	vst.idx.msk $0xffff, v16  }
0x18e: {  	[tilespmem:v54+s23+$0x0] =	vst.idx.msk $0xffff, v56  }
0x18f: {  	[tilespmem:v55+s23+$0x0] =	vst.idx.msk $0xffff, v14  }
0x190: {  	v14 =	vld [tilespmem:s26+$0x3410];
	_ =	sdelay $0x4  }
0x191: {  	v57 =	vsub.s32 v14, v1  }
0x192: {  	v14 =	vand.u32 $0x7, v14;
	v16 =	vand.u32 $0xFFFFFFF8, v57  }
0x193: {  	v14 =	vor.u32 v14, v16;
	_ =	sdelay $0x1  }
0x194: {  	v17 =	vld.idx.msk [tilespmem:v15+s3+$0x0], $0xffff  }
0x195: {  	v59 =	vld.idx.msk [tilespmem:v15+s15+$0x0], $0xffff  }
0x196: {  	v15 =	vld.idx.msk [tilespmem:v15+s16+$0x0], $0xffff  }
0x197: {  	v16 =	vld.idx.msk [tilespmem:v14+s17+$0x0], $0xffff  }
0x198: {  	v58 =	vld.idx.msk [tilespmem:v14+s18+$0x0], $0xffff  }
0x199: {  	v60 =	vadd.s32 $0x1D50, v2;
	v14 =	vld.idx.msk [tilespmem:v14+s19+$0x0], $0xffff  }
0x19a: {  	v61 =	vadd.s32 $0x1D51, v2  }
0x19b: {  	v62 =	vadd.s32 $0x1D52, v2  }
0x19c: {  	v16 =	vsub.f32 v16, v17  }
0x19d: {  	s31 =	sadd.s32 s5, s2;
	v63 =	vsub.f32 v58, v59  }
0x19e: {  	s25 =	sadd.s32 $0x1, s25;
	s0 =	smul.u32 $0x10C, s31;
	v14 =	vsub.f32 v14, v15;
	[tilespmem:v60+s23+$0x0] =	vst.idx.msk $0xffff, v16  }
0x19f: {  	p0 =	sne.s32 s25, $0x40;
	[tilespmem:v61+s23+$0x0] =	vst.idx.msk $0xffff, v63  }
.Ltmp3:
0x1a0: {  	s0 =	sadd.s32 s1, s0;
	[tilespmem:v62+s23+$0x0] =	vst.idx.msk $0xffff, v14;
	(pc) =	sbr.rel @p0 .LBB2_6-.Ltmp3, $4  }
0x1a1: {  	[hbm4b:s0+s3] =	stream.linear.scatter [tilespmem:s23], [sflag:$0x2], $0x2180, $0x38;
	[tilespmem:$0x9520] =	vst v63  }
0x1a2: {  	_ =	swait.ge [sflag:s14], $0x2180  }
0x1a3: {  	[sflag:s14] =	ssyncset.done $0x0  }
0x1a4: {  	[sflag:s14] =	ssyncadd.s32 $0xFFFFDE80  }
0x1a5: {  	s24 =	sadd.s32 $0x1, s24  }
0x1a6: {  	p0 =	sne.s32 s24, s13  }
.Ltmp4:
0x1a7: {  	_ = 	snop;
	(pc) =	sbr.rel @p0 .LBB2_1-.Ltmp4, $1  }
0x1a8: {  	_ =	sdelay $0x3  }
0x1a9: {  	_ =	sfence.sel $0x180000  }
0x1aa: {  	[bflag:$0x0] =	sbarrier.arrive $0xFFFF  }
0x1ab: {  	_ =	strace $0x90000047  }
0x1ac: {  	s0 =	stileid.u32;
	[bflag:$0x2] =	sbarrier.arrive $0xFFFF  }
0x1ad: {  	p0 =	sne.s32 s0, $0x0;
	s0 =	rddreg [dreg:$0x8]  }
0x1ae: {  	s0 =	sadd.s32 @!p0 $0x100000, s0  }
0x1af: {  	[sflag:s0] =	ssyncadd.tile.s32 @!p0 $0x1;
	_ =	shalt  }
.Lfunc_end2:
_tile_overlayer_lowered:
.L_overlay_start_2:
0x1b0: {  	(tag) =	ssettag $0x2  }
0x1b1: {  	s0 =	rddreg [dreg:$0x0];
	s2 =	stileid.u32  }
0x1b2: {  	s1 =	rddreg [dreg:$0x1];
	p0 =	sne.s32 s2, $0x0  }
0x1b3: {  	s3 =	rddreg [dreg:$0x2];
	[bflag:$0x3] =	sbarrier.arrive $0xFFFF;
	s2 =	simm.s32 @!p0 $0x1C02  }
0x1b4: {  	[timem:s3], [sflag:s2] =	dma.local @!p0 [hbm:s0], s1  }
0x1b5: {  	s0 =	simm.s32 @!p0 $0x2  }
0x1b6: {  	_ =	swait.ge @!p0 [sflag:s0], s1  }
0x1b7: {  	s1 =	ssub.s32 @!p0 $0x0, s1;
	[sflag:s0] =	ssyncset.done @!p0 $0x0  }
0x1b8: {  	[sflag:s0] =	ssyncadd.s32 @!p0 s1  }
0x1b9: {  	[bflag:$0x3] =	sbarrier.arrive $0xFFFF  }
0x1ba: {  	_ =	shalt  }

</sc_bundles>
